<compile_context>
chip_gen: v7x
topology: tpu7x:2x2x1
jax: 0.10.2.dev20260603
libtpu: 0.0.44.dev20260713+nightly
codegen_flags: <defaults>
</compile_context>

<pallas_src>
import functools

import jax
import jax.numpy as jnp
from jax import lax
from jax.experimental import pallas as pl
from jax.experimental.pallas import tpu as pltpu
from jax.experimental.pallas import tpu_sc as plsc

_CHUNK = 16
_NBUF = 4
_NSLOT = 2


def _embedding_lookup(tokens_flat, table):
    B, = tokens_flat.shape
    V, D = table.shape
    info = plsc.get_sparse_core_info()
    NC, NS = info.num_cores, info.num_subcores
    NW = NC * NS
    b_per_w = B // NW
    n_chunks = b_per_w // _CHUNK
    assert B == NW * b_per_w and b_per_w == n_chunks * _CHUNK
    assert n_chunks % _NBUF == 0 and _NBUF >= _NSLOT

    mesh = plsc.VectorSubcoreMesh(core_axis_name="c", subcore_axis_name="s")

    @functools.partial(
        pl.kernel,
        mesh=mesh,
        out_type=jax.ShapeDtypeStruct((B, D), jnp.float32),
        scratch_types=[
            pltpu.VMEM((b_per_w,), jnp.int32),
        ]
        + [pltpu.VMEM((_CHUNK, D), jnp.float32)] * _NBUF
        + [pltpu.VMEM_SHARED((NS, _NSLOT, _CHUNK, D), jnp.float32)]
        + [pltpu.SemaphoreType.DMA] * (2 * _NBUF + _NSLOT),
    )
    def gather_kernel(idx_hbm, table_hbm, out_hbm, idx_v, *bufs_sems):
        bufs = bufs_sems[:_NBUF]
        shared = bufs_sems[_NBUF]
        gsems = bufs_sems[_NBUF + 1:2 * _NBUF + 1]
        ssems = bufs_sems[2 * _NBUF + 1:3 * _NBUF + 1]
        dsems = bufs_sems[3 * _NBUF + 1:]
        sid = lax.axis_index("s")
        wid = sid * NC + lax.axis_index("c")
        base = wid * b_per_w
        pltpu.sync_copy(idx_hbm.at[pl.ds(base, b_per_w)], idx_v)

        def out_slice(i):
            return out_hbm.at[pl.ds(base + i * _CHUNK, _CHUNK)]

        def slot(s):
            return shared.at[sid, s]

        def start_gather(i, b):
            off = pl.multiple_of(i * _CHUNK, _CHUNK)
            pltpu.async_copy(table_hbm.at[idx_v.at[pl.ds(off, _CHUNK)]],
                             bufs[b], gsems[b])

        for b in range(_NBUF - 1):
            start_gather(b, b)

        def step(i, b, s, first=False, last=False):
            pltpu.make_async_copy(table_hbm.at[idx_v.at[pl.ds(0, _CHUNK)]],
                                  bufs[b], gsems[b]).wait()
            if not last:
                start_gather(i + _NBUF - 1, (b + _NBUF - 1) % _NBUF)
            if not first:
                pltpu.make_async_copy(slot(s), out_slice(0), dsems[s]).wait()
            pltpu.async_copy(bufs[b], slot(s), ssems[b])
            pltpu.make_async_copy(bufs[b], slot(s), ssems[b]).wait()
            pltpu.async_copy(slot(s), out_slice(i), dsems[s])

        for i in range(_NSLOT):
            step(i, i % _NBUF, i % _NSLOT, first=True)

        n_steady = (n_chunks - 2 * _NBUF) // _NBUF

        def body(grp, carry):
            for k in range(_NBUF):
                i = _NSLOT + _NBUF * grp + k
                step(i, (_NSLOT + k) % _NBUF, (_NSLOT + k) % _NSLOT)
            return carry

        lax.fori_loop(0, n_steady, body, 0)

        for i in range(_NSLOT + n_steady * _NBUF, n_chunks):
            step(i, i % _NBUF, i % _NSLOT, last=(i + _NBUF - 1 >= n_chunks))

        for s in range(_NSLOT):
            pltpu.make_async_copy(slot(s), out_slice(0), dsems[s]).wait()

    return gather_kernel(tokens_flat, table)


def kernel(tokens, start_pos, tok_embeddings_weight):
    B, S = tokens.shape
    V, D = tok_embeddings_weight.shape
    out = _embedding_lookup(tokens.reshape(B * S), tok_embeddings_weight)
    return out.reshape(B, S, D)

# --- scband reference (transcript-rebuilt; emitter-appended) ---
"""Pipeline reference for scband-transformer-12266426597945 (READ-ONLY COPY).

The authoritative reference and input builder live on the scoring server;
editing this copy changes nothing except your own understanding.
"""

import jax, jax.numpy as jnp
import numpy as np

VOCAB = 100000
DIM = 1024
BATCH = 4
SEQLEN = 8192


def setup_inputs(seed: int = 0) -> dict:
    key = jax.random.key(seed)
    k_tok, k_tab = jax.random.split(key)
    tokens = jax.random.randint(k_tok, (BATCH, SEQLEN), 0, VOCAB, dtype=jnp.int32)
    tok_embeddings_weight = jax.random.normal(k_tab, (VOCAB, DIM), dtype=jnp.float32) * 0.02
    return {
        "tokens": tokens,
        "start_pos": 0,
        "tok_embeddings_weight": tok_embeddings_weight,
    }


def reference(tokens, start_pos, tok_embeddings_weight):
    # Faithful to the torch module's forward: only the token embedding lookup
    # is performed and the raw embeddings are returned (layers/norm/output are
    # never invoked before the early return).
    h = jnp.take(tok_embeddings_weight, tokens, axis=0)  # [B, S, D]
    embeddings = h
    return embeddings

if __name__ == "__main__":
    import jax
    _d = setup_inputs()
    print(jax.jit(kernel)(*tuple(_d.values())))

</pallas_src>

<mosaic_0001>
#map = affine_map<(d0, d1) -> (0)>
#map1 = affine_map<(d0, d1) -> (0, 0)>
module attributes {stable_mosaic.version = 14 : i64} {
  func.func @gather_kernel(%arg0: i32, %arg1: i32, %arg2: memref<32768xi32, #tpu.memory_space<hbm>>, %arg3: memref<100000x1024xf32, #tpu.memory_space<hbm>>, %arg4: memref<32768x1024xf32, #tpu.memory_space<hbm>>, %arg5: memref<1024xi32, #tpu.memory_space<vmem>>, %arg6: memref<16x1024xf32, #tpu.memory_space<vmem>>, %arg7: memref<16x1024xf32, #tpu.memory_space<vmem>>, %arg8: memref<16x1024xf32, #tpu.memory_space<vmem>>, %arg9: memref<16x1024xf32, #tpu.memory_space<vmem>>, %arg10: memref<16x2x16x1024xf32, #tpu.memory_space<vmem_shared>>, %arg11: memref<!tpu.dma_semaphore, #tpu.memory_space<semaphore_mem>>, %arg12: memref<!tpu.dma_semaphore, #tpu.memory_space<semaphore_mem>>, %arg13: memref<!tpu.dma_semaphore, #tpu.memory_space<semaphore_mem>>, %arg14: memref<!tpu.dma_semaphore, #tpu.memory_space<semaphore_mem>>, %arg15: memref<!tpu.dma_semaphore, #tpu.memory_space<semaphore_mem>>, %arg16: memref<!tpu.dma_semaphore, #tpu.memory_space<semaphore_mem>>, %arg17: memref<!tpu.dma_semaphore, #tpu.memory_space<semaphore_mem>>, %arg18: memref<!tpu.dma_semaphore, #tpu.memory_space<semaphore_mem>>, %arg19: memref<!tpu.dma_semaphore, #tpu.memory_space<semaphore_mem>>, %arg20: memref<!tpu.dma_semaphore, #tpu.memory_space<semaphore_mem>>) attributes {dimension_semantics = [#tpu.dimension_semantics<core_parallel>, #tpu.dimension_semantics<subcore_parallel>], iteration_bounds = array<i64: 2, 16>, scalar_prefetch = 0 : i64, scratch_operands = 16 : i64, tpu.core_type = #tpu.core_type<sc_vector_subcore>, window_params = [{transform_indices = #map}, {transform_indices = #map1}, {transform_indices = #map1}]} {
    %mul3A = arith.constant 2 : i32
    %mul3A_0 = arith.muli %arg1, %mul3A : i32
    %add3A = arith.addi %mul3A_0, %arg0 : i32
    %mul3A_1 = arith.constant 1024 : i32
    %mul3A_2 = arith.muli %add3A, %mul3A_1 : i32
    "tpu.region"() ({
      %run_scoped3A = tpu.sem_alloc : memref<!tpu.dma_semaphore, #tpu.memory_space<semaphore_mem>>
      %dma_start3A_381 = tpu.memref_slice %arg2[%mul3A_2] : memref<32768xi32, #tpu.memory_space<hbm>> -> memref<1024xi32, #tpu.memory_space<hbm>>
      %dma_start3A_382 = tpu.memref_slice %arg2[%mul3A_2] : memref<32768xi32, #tpu.memory_space<hbm>> -> memref<1024xi32, #tpu.memory_space<hbm>>
      tpu.enqueue_dma source(%dma_start3A_382 : memref<1024xi32, #tpu.memory_space<hbm>>) target(%arg5 : memref<1024xi32, #tpu.memory_space<vmem>>) target_semaphore(%run_scoped3A : memref<!tpu.dma_semaphore, #tpu.memory_space<semaphore_mem>>)
      %dma_wait3A_383 = tpu.memref_slice %arg2[%mul3A_2] : memref<32768xi32, #tpu.memory_space<hbm>> -> memref<1024xi32, #tpu.memory_space<hbm>>
      %dma_wait3A_384 = tpu.memref_slice %arg2[%mul3A_2] : memref<32768xi32, #tpu.memory_space<hbm>> -> memref<1024xi32, #tpu.memory_space<hbm>>
      tpu.wait_dma2 semaphore(%run_scoped3A : memref<!tpu.dma_semaphore, #tpu.memory_space<semaphore_mem>>) src(%dma_wait3A_384 : memref<1024xi32, #tpu.memory_space<hbm>>) dst(%arg5 : memref<1024xi32, #tpu.memory_space<vmem>>)
      tpu.yield
    }) : () -> ()
    %multiple_of3A = arith.constant 0 : i32
    %multiple_of3A_3 = tpu.assume_multiple %multiple_of3A, 16 : i32
    %dma_start3A = tpu.memref_slice %arg5[%multiple_of3A_3] : memref<1024xi32, #tpu.memory_space<vmem>> -> memref<16xi32, #tpu.memory_space<vmem>>
    %dma_start3A_4 = arith.constant 0 : i32
    %dma_start3A_5 = arith.constant 0 : i32
    %dma_start3A_6 = tpu.memref_slice %arg3[%dma_start3A_4, %dma_start3A_5] : memref<100000x1024xf32, #tpu.memory_space<hbm>> -> memref<100000x1024xf32, #tpu.memory_space<hbm>>
    tpu.enqueue_indirect_dma source(%dma_start3A_6 : memref<100000x1024xf32, #tpu.memory_space<hbm>>) target(%arg6 : memref<16x1024xf32, #tpu.memory_space<vmem>>) offsets(%dma_start3A : memref<16xi32, #tpu.memory_space<vmem>>) semaphore(%arg11 : memref<!tpu.dma_semaphore, #tpu.memory_space<semaphore_mem>>)
    %multiple_of3A_7 = arith.constant 16 : i32
    %multiple_of3A_8 = tpu.assume_multiple %multiple_of3A_7, 16 : i32
    %dma_start3A_9 = tpu.memref_slice %arg5[%multiple_of3A_8] : memref<1024xi32, #tpu.memory_space<vmem>> -> memref<16xi32, #tpu.memory_space<vmem>>
    %dma_start3A_10 = arith.constant 0 : i32
    %dma_start3A_11 = arith.constant 0 : i32
    %dma_start3A_12 = tpu.memref_slice %arg3[%dma_start3A_10, %dma_start3A_11] : memref<100000x1024xf32, #tpu.memory_space<hbm>> -> memref<100000x1024xf32, #tpu.memory_space<hbm>>
    tpu.enqueue_indirect_dma source(%dma_start3A_12 : memref<100000x1024xf32, #tpu.memory_space<hbm>>) target(%arg7 : memref<16x1024xf32, #tpu.memory_space<vmem>>) offsets(%dma_start3A_9 : memref<16xi32, #tpu.memory_space<vmem>>) semaphore(%arg12 : memref<!tpu.dma_semaphore, #tpu.memory_space<semaphore_mem>>)
    %multiple_of3A_13 = arith.constant 32 : i32
    %multiple_of3A_14 = tpu.assume_multiple %multiple_of3A_13, 16 : i32
    %dma_start3A_15 = tpu.memref_slice %arg5[%multiple_of3A_14] : memref<1024xi32, #tpu.memory_space<vmem>> -> memref<16xi32, #tpu.memory_space<vmem>>
    %dma_start3A_16 = arith.constant 0 : i32
    %dma_start3A_17 = arith.constant 0 : i32
    %dma_start3A_18 = tpu.memref_slice %arg3[%dma_start3A_16, %dma_start3A_17] : memref<100000x1024xf32, #tpu.memory_space<hbm>> -> memref<100000x1024xf32, #tpu.memory_space<hbm>>
    tpu.enqueue_indirect_dma source(%dma_start3A_18 : memref<100000x1024xf32, #tpu.memory_space<hbm>>) target(%arg8 : memref<16x1024xf32, #tpu.memory_space<vmem>>) offsets(%dma_start3A_15 : memref<16xi32, #tpu.memory_space<vmem>>) semaphore(%arg13 : memref<!tpu.dma_semaphore, #tpu.memory_space<semaphore_mem>>)
    %dma_wait3A = arith.constant 0 : i32
    %dma_wait3A_19 = tpu.memref_slice %arg5[%dma_wait3A] : memref<1024xi32, #tpu.memory_space<vmem>> -> memref<16xi32, #tpu.memory_space<vmem>>
    %dma_wait3A_20 = arith.constant 0 : i32
    %dma_wait3A_21 = arith.constant 0 : i32
    %dma_wait3A_22 = tpu.memref_slice %arg3[%dma_wait3A_20, %dma_wait3A_21] : memref<100000x1024xf32, #tpu.memory_space<hbm>> -> memref<100000x1024xf32, #tpu.memory_space<hbm>>
    tpu.wait_indirect_dma semaphore(%arg11 : memref<!tpu.dma_semaphore, #tpu.memory_space<semaphore_mem>>) src(%dma_wait3A_22 : memref<100000x1024xf32, #tpu.memory_space<hbm>>) dst(%arg6 : memref<16x1024xf32, #tpu.memory_space<vmem>>)
    %multiple_of3A_23 = arith.constant 48 : i32
    %multiple_of3A_24 = tpu.assume_multiple %multiple_of3A_23, 16 : i32
    %dma_start3A_25 = tpu.memref_slice %arg5[%multiple_of3A_24] : memref<1024xi32, #tpu.memory_space<vmem>> -> memref<16xi32, #tpu.memory_space<vmem>>
    %dma_start3A_26 = arith.constant 0 : i32
    %dma_start3A_27 = arith.constant 0 : i32
    %dma_start3A_28 = tpu.memref_slice %arg3[%dma_start3A_26, %dma_start3A_27] : memref<100000x1024xf32, #tpu.memory_space<hbm>> -> memref<100000x1024xf32, #tpu.memory_space<hbm>>
    tpu.enqueue_indirect_dma source(%dma_start3A_28 : memref<100000x1024xf32, #tpu.memory_space<hbm>>) target(%arg9 : memref<16x1024xf32, #tpu.memory_space<vmem>>) offsets(%dma_start3A_25 : memref<16xi32, #tpu.memory_space<vmem>>) semaphore(%arg14 : memref<!tpu.dma_semaphore, #tpu.memory_space<semaphore_mem>>)
    %dma_start3A_29 = arith.constant 0 : i32
    %dma_start3A_30 = arith.constant 0 : i32
    %dma_start3A_31 = arith.constant 0 : i32
    %dma_start3A_32 = tpu.memref_slice %arg10[%arg1, %dma_start3A_29, %dma_start3A_30, %dma_start3A_31] : memref<16x2x16x1024xf32, #tpu.memory_space<vmem_shared>> -> memref<1x1x16x1024xf32, #tpu.memory_space<vmem_shared>>
    %dma_start3A_33 = tpu.memref_squeeze %dma_start3A_32 : memref<1x1x16x1024xf32, #tpu.memory_space<vmem_shared>> -> memref<16x1024xf32, #tpu.memory_space<vmem_shared>>
    %dma_start3A_34 = arith.constant 0 : i32
    %dma_start3A_35 = arith.constant 0 : i32
    %dma_start3A_36 = tpu.memref_slice %arg10[%arg1, %dma_start3A_29, %dma_start3A_34, %dma_start3A_35] : memref<16x2x16x1024xf32, #tpu.memory_space<vmem_shared>> -> memref<1x1x16x1024xf32, #tpu.memory_space<vmem_shared>>
    %dma_start3A_37 = tpu.memref_squeeze %dma_start3A_36 : memref<1x1x16x1024xf32, #tpu.memory_space<vmem_shared>> -> memref<16x1024xf32, #tpu.memory_space<vmem_shared>>
    tpu.enqueue_dma source(%arg6 : memref<16x1024xf32, #tpu.memory_space<vmem>>) target(%dma_start3A_37 : memref<16x1024xf32, #tpu.memory_space<vmem_shared>>) target_semaphore(%arg15 : memref<!tpu.dma_semaphore, #tpu.memory_space<semaphore_mem>>)
    %dma_wait3A_38 = arith.constant 0 : i32
    %dma_wait3A_39 = arith.constant 0 : i32
    %dma_wait3A_40 = arith.constant 0 : i32
    %dma_wait3A_41 = tpu.memref_slice %arg10[%arg1, %dma_wait3A_38, %dma_wait3A_39, %dma_wait3A_40] : memref<16x2x16x1024xf32, #tpu.memory_space<vmem_shared>> -> memref<1x1x16x1024xf32, #tpu.memory_space<vmem_shared>>
    %dma_wait3A_42 = tpu.memref_squeeze %dma_wait3A_41 : memref<1x1x16x1024xf32, #tpu.memory_space<vmem_shared>> -> memref<16x1024xf32, #tpu.memory_space<vmem_shared>>
    %dma_wait3A_43 = arith.constant 0 : i32
    %dma_wait3A_44 = arith.constant 0 : i32
    %dma_wait3A_45 = tpu.memref_slice %arg10[%arg1, %dma_wait3A_38, %dma_wait3A_43, %dma_wait3A_44] : memref<16x2x16x1024xf32, #tpu.memory_space<vmem_shared>> -> memref<1x1x16x1024xf32, #tpu.memory_space<vmem_shared>>
    %dma_wait3A_46 = tpu.memref_squeeze %dma_wait3A_45 : memref<1x1x16x1024xf32, #tpu.memory_space<vmem_shared>> -> memref<16x1024xf32, #tpu.memory_space<vmem_shared>>
    tpu.wait_dma2 semaphore(%arg15 : memref<!tpu.dma_semaphore, #tpu.memory_space<semaphore_mem>>) src(%arg6 : memref<16x1024xf32, #tpu.memory_space<vmem>>) dst(%dma_wait3A_46 : memref<16x1024xf32, #tpu.memory_space<vmem_shared>>)
    %add3A_47 = arith.constant 0 : i32
    %add3A_48 = arith.addi %mul3A_2, %add3A_47 : i32
    %dma_start3A_49 = arith.constant 0 : i32
    %dma_start3A_50 = arith.constant 0 : i32
    %dma_start3A_51 = tpu.memref_slice %arg4[%add3A_48, %dma_start3A_50] : memref<32768x1024xf32, #tpu.memory_space<hbm>> -> memref<16x1024xf32, #tpu.memory_space<hbm>>
    %dma_start3A_52 = arith.constant 0 : i32
    %dma_start3A_53 = arith.constant 0 : i32
    %dma_start3A_54 = tpu.memref_slice %arg10[%arg1, %dma_start3A_49, %dma_start3A_52, %dma_start3A_53] : memref<16x2x16x1024xf32, #tpu.memory_space<vmem_shared>> -> memref<1x1x16x1024xf32, #tpu.memory_space<vmem_shared>>
    %dma_start3A_55 = tpu.memref_squeeze %dma_start3A_54 : memref<1x1x16x1024xf32, #tpu.memory_space<vmem_shared>> -> memref<16x1024xf32, #tpu.memory_space<vmem_shared>>
    tpu.enqueue_dma source(%dma_start3A_55 : memref<16x1024xf32, #tpu.memory_space<vmem_shared>>) target(%dma_start3A_51 : memref<16x1024xf32, #tpu.memory_space<hbm>>) target_semaphore(%arg19 : memref<!tpu.dma_semaphore, #tpu.memory_space<semaphore_mem>>)
    %dma_wait3A_56 = arith.constant 0 : i32
    %dma_wait3A_57 = tpu.memref_slice %arg5[%dma_wait3A_56] : memref<1024xi32, #tpu.memory_space<vmem>> -> memref<16xi32, #tpu.memory_space<vmem>>
    %dma_wait3A_58 = arith.constant 0 : i32
    %dma_wait3A_59 = arith.constant 0 : i32
    %dma_wait3A_60 = tpu.memref_slice %arg3[%dma_wait3A_58, %dma_wait3A_59] : memref<100000x1024xf32, #tpu.memory_space<hbm>> -> memref<100000x1024xf32, #tpu.memory_space<hbm>>
    tpu.wait_indirect_dma semaphore(%arg12 : memref<!tpu.dma_semaphore, #tpu.memory_space<semaphore_mem>>) src(%dma_wait3A_60 : memref<100000x1024xf32, #tpu.memory_space<hbm>>) dst(%arg7 : memref<16x1024xf32, #tpu.memory_space<vmem>>)
    %multiple_of3A_61 = arith.constant 64 : i32
    %multiple_of3A_62 = tpu.assume_multiple %multiple_of3A_61, 16 : i32
    %dma_start3A_63 = tpu.memref_slice %arg5[%multiple_of3A_62] : memref<1024xi32, #tpu.memory_space<vmem>> -> memref<16xi32, #tpu.memory_space<vmem>>
    %dma_start3A_64 = arith.constant 0 : i32
    %dma_start3A_65 = arith.constant 0 : i32
    %dma_start3A_66 = tpu.memref_slice %arg3[%dma_start3A_64, %dma_start3A_65] : memref<100000x1024xf32, #tpu.memory_space<hbm>> -> memref<100000x1024xf32, #tpu.memory_space<hbm>>
    tpu.enqueue_indirect_dma source(%dma_start3A_66 : memref<100000x1024xf32, #tpu.memory_space<hbm>>) target(%arg6 : memref<16x1024xf32, #tpu.memory_space<vmem>>) offsets(%dma_start3A_63 : memref<16xi32, #tpu.memory_space<vmem>>) semaphore(%arg11 : memref<!tpu.dma_semaphore, #tpu.memory_space<semaphore_mem>>)
    %dma_start3A_67 = arith.constant 1 : i32
    %dma_start3A_68 = arith.constant 0 : i32
    %dma_start3A_69 = arith.constant 0 : i32
    %dma_start3A_70 = tpu.memref_slice %arg10[%arg1, %dma_start3A_67, %dma_start3A_68, %dma_start3A_69] : memref<16x2x16x1024xf32, #tpu.memory_space<vmem_shared>> -> memref<1x1x16x1024xf32, #tpu.memory_space<vmem_shared>>
    %dma_start3A_71 = tpu.memref_squeeze %dma_start3A_70 : memref<1x1x16x1024xf32, #tpu.memory_space<vmem_shared>> -> memref<16x1024xf32, #tpu.memory_space<vmem_shared>>
    %dma_start3A_72 = arith.constant 0 : i32
    %dma_start3A_73 = arith.constant 0 : i32
    %dma_start3A_74 = tpu.memref_slice %arg10[%arg1, %dma_start3A_67, %dma_start3A_72, %dma_start3A_73] : memref<16x2x16x1024xf32, #tpu.memory_space<vmem_shared>> -> memref<1x1x16x1024xf32, #tpu.memory_space<vmem_shared>>
    %dma_start3A_75 = tpu.memref_squeeze %dma_start3A_74 : memref<1x1x16x1024xf32, #tpu.memory_space<vmem_shared>> -> memref<16x1024xf32, #tpu.memory_space<vmem_shared>>
    tpu.enqueue_dma source(%arg7 : memref<16x1024xf32, #tpu.memory_space<vmem>>) target(%dma_start3A_75 : memref<16x1024xf32, #tpu.memory_space<vmem_shared>>) target_semaphore(%arg16 : memref<!tpu.dma_semaphore, #tpu.memory_space<semaphore_mem>>)
    %dma_wait3A_76 = arith.constant 1 : i32
    %dma_wait3A_77 = arith.constant 0 : i32
    %dma_wait3A_78 = arith.constant 0 : i32
    %dma_wait3A_79 = tpu.memref_slice %arg10[%arg1, %dma_wait3A_76, %dma_wait3A_77, %dma_wait3A_78] : memref<16x2x16x1024xf32, #tpu.memory_space<vmem_shared>> -> memref<1x1x16x1024xf32, #tpu.memory_space<vmem_shared>>
    %dma_wait3A_80 = tpu.memref_squeeze %dma_wait3A_79 : memref<1x1x16x1024xf32, #tpu.memory_space<vmem_shared>> -> memref<16x1024xf32, #tpu.memory_space<vmem_shared>>
    %dma_wait3A_81 = arith.constant 0 : i32
    %dma_wait3A_82 = arith.constant 0 : i32
    %dma_wait3A_83 = tpu.memref_slice %arg10[%arg1, %dma_wait3A_76, %dma_wait3A_81, %dma_wait3A_82] : memref<16x2x16x1024xf32, #tpu.memory_space<vmem_shared>> -> memref<1x1x16x1024xf32, #tpu.memory_space<vmem_shared>>
    %dma_wait3A_84 = tpu.memref_squeeze %dma_wait3A_83 : memref<1x1x16x1024xf32, #tpu.memory_space<vmem_shared>> -> memref<16x1024xf32, #tpu.memory_space<vmem_shared>>
    tpu.wait_dma2 semaphore(%arg16 : memref<!tpu.dma_semaphore, #tpu.memory_space<semaphore_mem>>) src(%arg7 : memref<16x1024xf32, #tpu.memory_space<vmem>>) dst(%dma_wait3A_84 : memref<16x1024xf32, #tpu.memory_space<vmem_shared>>)
    %add3A_85 = arith.constant 16 : i32
    %add3A_86 = arith.addi %mul3A_2, %add3A_85 : i32
    %dma_start3A_87 = arith.constant 1 : i32
    %dma_start3A_88 = arith.constant 0 : i32
    %dma_start3A_89 = tpu.memref_slice %arg4[%add3A_86, %dma_start3A_88] : memref<32768x1024xf32, #tpu.memory_space<hbm>> -> memref<16x1024xf32, #tpu.memory_space<hbm>>
    %dma_start3A_90 = arith.constant 0 : i32
    %dma_start3A_91 = arith.constant 0 : i32
    %dma_start3A_92 = tpu.memref_slice %arg10[%arg1, %dma_start3A_87, %dma_start3A_90, %dma_start3A_91] : memref<16x2x16x1024xf32, #tpu.memory_space<vmem_shared>> -> memref<1x1x16x1024xf32, #tpu.memory_space<vmem_shared>>
    %dma_start3A_93 = tpu.memref_squeeze %dma_start3A_92 : memref<1x1x16x1024xf32, #tpu.memory_space<vmem_shared>> -> memref<16x1024xf32, #tpu.memory_space<vmem_shared>>
    tpu.enqueue_dma source(%dma_start3A_93 : memref<16x1024xf32, #tpu.memory_space<vmem_shared>>) target(%dma_start3A_89 : memref<16x1024xf32, #tpu.memory_space<hbm>>) target_semaphore(%arg20 : memref<!tpu.dma_semaphore, #tpu.memory_space<semaphore_mem>>)
    %scan3A = arith.constant 0 : i32
    %scan3A_94 = arith.constant 0 : i32
    %scan3A_95 = arith.constant 14 : i32
    %scan3A_96 = arith.addi %scan3A_94, %scan3A_95 : i32
    %scan3A_97 = arith.constant 1 : i32
    scf.for %scan3A_381 = %scan3A_94 to %scan3A_96 step %scan3A_97  : i32 {
      %mul3A_382 = arith.constant 4 : i32
      %mul3A_383 = arith.muli %mul3A_382, %scan3A_381 : i32
      %add3A_384 = arith.constant 2 : i32
      %add3A_385 = arith.addi %add3A_384, %mul3A_383 : i32
      %add3A_386 = arith.constant 0 : i32
      %add3A_387 = arith.addi %add3A_385, %add3A_386 : i32
      %dma_wait3A_388 = arith.constant 0 : i32
      %dma_wait3A_389 = tpu.memref_slice %arg5[%dma_wait3A_388] : memref<1024xi32, #tpu.memory_space<vmem>> -> memref<16xi32, #tpu.memory_space<vmem>>
      %dma_wait3A_390 = arith.constant 0 : i32
      %dma_wait3A_391 = arith.constant 0 : i32
      %dma_wait3A_392 = tpu.memref_slice %arg3[%dma_wait3A_390, %dma_wait3A_391] : memref<100000x1024xf32, #tpu.memory_space<hbm>> -> memref<100000x1024xf32, #tpu.memory_space<hbm>>
      tpu.wait_indirect_dma semaphore(%arg13 : memref<!tpu.dma_semaphore, #tpu.memory_space<semaphore_mem>>) src(%dma_wait3A_392 : memref<100000x1024xf32, #tpu.memory_space<hbm>>) dst(%arg8 : memref<16x1024xf32, #tpu.memory_space<vmem>>)
      %add3A_393 = arith.constant 4 : i32
      %add3A_394 = arith.addi %add3A_387, %add3A_393 : i32
      %sub3A = arith.constant 1 : i32
      %sub3A_395 = arith.subi %add3A_394, %sub3A : i32
      %mul3A_396 = arith.constant 16 : i32
      %mul3A_397 = arith.muli %sub3A_395, %mul3A_396 : i32
      %multiple_of3A_398 = tpu.assume_multiple %mul3A_397, 16 : i32
      %dma_start3A_399 = tpu.memref_slice %arg5[%multiple_of3A_398] : memref<1024xi32, #tpu.memory_space<vmem>> -> memref<16xi32, #tpu.memory_space<vmem>>
      %dma_start3A_400 = arith.constant 0 : i32
      %dma_start3A_401 = arith.constant 0 : i32
      %dma_start3A_402 = tpu.memref_slice %arg3[%dma_start3A_400, %dma_start3A_401] : memref<100000x1024xf32, #tpu.memory_space<hbm>> -> memref<100000x1024xf32, #tpu.memory_space<hbm>>
      tpu.enqueue_indirect_dma source(%dma_start3A_402 : memref<100000x1024xf32, #tpu.memory_space<hbm>>) target(%arg7 : memref<16x1024xf32, #tpu.memory_space<vmem>>) offsets(%dma_start3A_399 : memref<16xi32, #tpu.memory_space<vmem>>) semaphore(%arg12 : memref<!tpu.dma_semaphore, #tpu.memory_space<semaphore_mem>>)
      %add3A_403 = arith.constant 0 : i32
      %add3A_404 = arith.addi %mul3A_2, %add3A_403 : i32
      %dma_wait3A_405 = arith.constant 0 : i32
      %dma_wait3A_406 = arith.constant 0 : i32
      %dma_wait3A_407 = tpu.memref_slice %arg4[%add3A_404, %dma_wait3A_406] : memref<32768x1024xf32, #tpu.memory_space<hbm>> -> memref<16x1024xf32, #tpu.memory_space<hbm>>
      %dma_wait3A_408 = arith.constant 0 : i32
      %dma_wait3A_409 = arith.constant 0 : i32
      %dma_wait3A_410 = tpu.memref_slice %arg10[%arg1, %dma_wait3A_405, %dma_wait3A_408, %dma_wait3A_409] : memref<16x2x16x1024xf32, #tpu.memory_space<vmem_shared>> -> memref<1x1x16x1024xf32, #tpu.memory_space<vmem_shared>>
      %dma_wait3A_411 = tpu.memref_squeeze %dma_wait3A_410 : memref<1x1x16x1024xf32, #tpu.memory_space<vmem_shared>> -> memref<16x1024xf32, #tpu.memory_space<vmem_shared>>
      tpu.wait_dma2 semaphore(%arg19 : memref<!tpu.dma_semaphore, #tpu.memory_space<semaphore_mem>>) src(%dma_wait3A_411 : memref<16x1024xf32, #tpu.memory_space<vmem_shared>>) dst(%dma_wait3A_407 : memref<16x1024xf32, #tpu.memory_space<hbm>>)
      %dma_start3A_412 = arith.constant 0 : i32
      %dma_start3A_413 = arith.constant 0 : i32
      %dma_start3A_414 = arith.constant 0 : i32
      %dma_start3A_415 = tpu.memref_slice %arg10[%arg1, %dma_start3A_412, %dma_start3A_413, %dma_start3A_414] : memref<16x2x16x1024xf32, #tpu.memory_space<vmem_shared>> -> memref<1x1x16x1024xf32, #tpu.memory_space<vmem_shared>>
      %dma_start3A_416 = tpu.memref_squeeze %dma_start3A_415 : memref<1x1x16x1024xf32, #tpu.memory_space<vmem_shared>> -> memref<16x1024xf32, #tpu.memory_space<vmem_shared>>
      %dma_start3A_417 = arith.constant 0 : i32
      %dma_start3A_418 = arith.constant 0 : i32
      %dma_start3A_419 = tpu.memref_slice %arg10[%arg1, %dma_start3A_412, %dma_start3A_417, %dma_start3A_418] : memref<16x2x16x1024xf32, #tpu.memory_space<vmem_shared>> -> memref<1x1x16x1024xf32, #tpu.memory_space<vmem_shared>>
      %dma_start3A_420 = tpu.memref_squeeze %dma_start3A_419 : memref<1x1x16x1024xf32, #tpu.memory_space<vmem_shared>> -> memref<16x1024xf32, #tpu.memory_space<vmem_shared>>
      tpu.enqueue_dma source(%arg8 : memref<16x1024xf32, #tpu.memory_space<vmem>>) target(%dma_start3A_420 : memref<16x1024xf32, #tpu.memory_space<vmem_shared>>) target_semaphore(%arg17 : memref<!tpu.dma_semaphore, #tpu.memory_space<semaphore_mem>>)
      %dma_wait3A_421 = arith.constant 0 : i32
      %dma_wait3A_422 = arith.constant 0 : i32
      %dma_wait3A_423 = arith.constant 0 : i32
      %dma_wait3A_424 = tpu.memref_slice %arg10[%arg1, %dma_wait3A_421, %dma_wait3A_422, %dma_wait3A_423] : memref<16x2x16x1024xf32, #tpu.memory_space<vmem_shared>> -> memref<1x1x16x1024xf32, #tpu.memory_space<vmem_shared>>
      %dma_wait3A_425 = tpu.memref_squeeze %dma_wait3A_424 : memref<1x1x16x1024xf32, #tpu.memory_space<vmem_shared>> -> memref<16x1024xf32, #tpu.memory_space<vmem_shared>>
      %dma_wait3A_426 = arith.constant 0 : i32
      %dma_wait3A_427 = arith.constant 0 : i32
      %dma_wait3A_428 = tpu.memref_slice %arg10[%arg1, %dma_wait3A_421, %dma_wait3A_426, %dma_wait3A_427] : memref<16x2x16x1024xf32, #tpu.memory_space<vmem_shared>> -> memref<1x1x16x1024xf32, #tpu.memory_space<vmem_shared>>
      %dma_wait3A_429 = tpu.memref_squeeze %dma_wait3A_428 : memref<1x1x16x1024xf32, #tpu.memory_space<vmem_shared>> -> memref<16x1024xf32, #tpu.memory_space<vmem_shared>>
      tpu.wait_dma2 semaphore(%arg17 : memref<!tpu.dma_semaphore, #tpu.memory_space<semaphore_mem>>) src(%arg8 : memref<16x1024xf32, #tpu.memory_space<vmem>>) dst(%dma_wait3A_429 : memref<16x1024xf32, #tpu.memory_space<vmem_shared>>)
      %mul3A_430 = arith.constant 16 : i32
      %mul3A_431 = arith.muli %add3A_387, %mul3A_430 : i32
      %add3A_432 = arith.addi %mul3A_2, %mul3A_431 : i32
      %dma_start3A_433 = arith.constant 0 : i32
      %dma_start3A_434 = arith.constant 0 : i32
      %dma_start3A_435 = tpu.memref_slice %arg4[%add3A_432, %dma_start3A_434] : memref<32768x1024xf32, #tpu.memory_space<hbm>> -> memref<16x1024xf32, #tpu.memory_space<hbm>>
      %dma_start3A_436 = arith.constant 0 : i32
      %dma_start3A_437 = arith.constant 0 : i32
      %dma_start3A_438 = tpu.memref_slice %arg10[%arg1, %dma_start3A_433, %dma_start3A_436, %dma_start3A_437] : memref<16x2x16x1024xf32, #tpu.memory_space<vmem_shared>> -> memref<1x1x16x1024xf32, #tpu.memory_space<vmem_shared>>
      %dma_start3A_439 = tpu.memref_squeeze %dma_start3A_438 : memref<1x1x16x1024xf32, #tpu.memory_space<vmem_shared>> -> memref<16x1024xf32, #tpu.memory_space<vmem_shared>>
      tpu.enqueue_dma source(%dma_start3A_439 : memref<16x1024xf32, #tpu.memory_space<vmem_shared>>) target(%dma_start3A_435 : memref<16x1024xf32, #tpu.memory_space<hbm>>) target_semaphore(%arg19 : memref<!tpu.dma_semaphore, #tpu.memory_space<semaphore_mem>>)
      %mul3A_440 = arith.constant 4 : i32
      %mul3A_441 = arith.muli %mul3A_440, %scan3A_381 : i32
      %add3A_442 = arith.constant 2 : i32
      %add3A_443 = arith.addi %add3A_442, %mul3A_441 : i32
      %add3A_444 = arith.constant 1 : i32
      %add3A_445 = arith.addi %add3A_443, %add3A_444 : i32
      %dma_wait3A_446 = arith.constant 0 : i32
      %dma_wait3A_447 = tpu.memref_slice %arg5[%dma_wait3A_446] : memref<1024xi32, #tpu.memory_space<vmem>> -> memref<16xi32, #tpu.memory_space<vmem>>
      %dma_wait3A_448 = arith.constant 0 : i32
      %dma_wait3A_449 = arith.constant 0 : i32
      %dma_wait3A_450 = tpu.memref_slice %arg3[%dma_wait3A_448, %dma_wait3A_449] : memref<100000x1024xf32, #tpu.memory_space<hbm>> -> memref<100000x1024xf32, #tpu.memory_space<hbm>>
      tpu.wait_indirect_dma semaphore(%arg14 : memref<!tpu.dma_semaphore, #tpu.memory_space<semaphore_mem>>) src(%dma_wait3A_450 : memref<100000x1024xf32, #tpu.memory_space<hbm>>) dst(%arg9 : memref<16x1024xf32, #tpu.memory_space<vmem>>)
      %add3A_451 = arith.constant 4 : i32
      %add3A_452 = arith.addi %add3A_445, %add3A_451 : i32
      %sub3A_453 = arith.constant 1 : i32
      %sub3A_454 = arith.subi %add3A_452, %sub3A_453 : i32
      %mul3A_455 = arith.constant 16 : i32
      %mul3A_456 = arith.muli %sub3A_454, %mul3A_455 : i32
      %multiple_of3A_457 = tpu.assume_multiple %mul3A_456, 16 : i32
      %dma_start3A_458 = tpu.memref_slice %arg5[%multiple_of3A_457] : memref<1024xi32, #tpu.memory_space<vmem>> -> memref<16xi32, #tpu.memory_space<vmem>>
      %dma_start3A_459 = arith.constant 0 : i32
      %dma_start3A_460 = arith.constant 0 : i32
      %dma_start3A_461 = tpu.memref_slice %arg3[%dma_start3A_459, %dma_start3A_460] : memref<100000x1024xf32, #tpu.memory_space<hbm>> -> memref<100000x1024xf32, #tpu.memory_space<hbm>>
      tpu.enqueue_indirect_dma source(%dma_start3A_461 : memref<100000x1024xf32, #tpu.memory_space<hbm>>) target(%arg8 : memref<16x1024xf32, #tpu.memory_space<vmem>>) offsets(%dma_start3A_458 : memref<16xi32, #tpu.memory_space<vmem>>) semaphore(%arg13 : memref<!tpu.dma_semaphore, #tpu.memory_space<semaphore_mem>>)
      %add3A_462 = arith.constant 0 : i32
      %add3A_463 = arith.addi %mul3A_2, %add3A_462 : i32
      %dma_wait3A_464 = arith.constant 1 : i32
      %dma_wait3A_465 = arith.constant 0 : i32
      %dma_wait3A_466 = tpu.memref_slice %arg4[%add3A_463, %dma_wait3A_465] : memref<32768x1024xf32, #tpu.memory_space<hbm>> -> memref<16x1024xf32, #tpu.memory_space<hbm>>
      %dma_wait3A_467 = arith.constant 0 : i32
      %dma_wait3A_468 = arith.constant 0 : i32
      %dma_wait3A_469 = tpu.memref_slice %arg10[%arg1, %dma_wait3A_464, %dma_wait3A_467, %dma_wait3A_468] : memref<16x2x16x1024xf32, #tpu.memory_space<vmem_shared>> -> memref<1x1x16x1024xf32, #tpu.memory_space<vmem_shared>>
      %dma_wait3A_470 = tpu.memref_squeeze %dma_wait3A_469 : memref<1x1x16x1024xf32, #tpu.memory_space<vmem_shared>> -> memref<16x1024xf32, #tpu.memory_space<vmem_shared>>
      tpu.wait_dma2 semaphore(%arg20 : memref<!tpu.dma_semaphore, #tpu.memory_space<semaphore_mem>>) src(%dma_wait3A_470 : memref<16x1024xf32, #tpu.memory_space<vmem_shared>>) dst(%dma_wait3A_466 : memref<16x1024xf32, #tpu.memory_space<hbm>>)
      %dma_start3A_471 = arith.constant 1 : i32
      %dma_start3A_472 = arith.constant 0 : i32
      %dma_start3A_473 = arith.constant 0 : i32
      %dma_start3A_474 = tpu.memref_slice %arg10[%arg1, %dma_start3A_471, %dma_start3A_472, %dma_start3A_473] : memref<16x2x16x1024xf32, #tpu.memory_space<vmem_shared>> -> memref<1x1x16x1024xf32, #tpu.memory_space<vmem_shared>>
      %dma_start3A_475 = tpu.memref_squeeze %dma_start3A_474 : memref<1x1x16x1024xf32, #tpu.memory_space<vmem_shared>> -> memref<16x1024xf32, #tpu.memory_space<vmem_shared>>
      %dma_start3A_476 = arith.constant 0 : i32
      %dma_start3A_477 = arith.constant 0 : i32
      %dma_start3A_478 = tpu.memref_slice %arg10[%arg1, %dma_start3A_471, %dma_start3A_476, %dma_start3A_477] : memref<16x2x16x1024xf32, #tpu.memory_space<vmem_shared>> -> memref<1x1x16x1024xf32, #tpu.memory_space<vmem_shared>>
      %dma_start3A_479 = tpu.memref_squeeze %dma_start3A_478 : memref<1x1x16x1024xf32, #tpu.memory_space<vmem_shared>> -> memref<16x1024xf32, #tpu.memory_space<vmem_shared>>
      tpu.enqueue_dma source(%arg9 : memref<16x1024xf32, #tpu.memory_space<vmem>>) target(%dma_start3A_479 : memref<16x1024xf32, #tpu.memory_space<vmem_shared>>) target_semaphore(%arg18 : memref<!tpu.dma_semaphore, #tpu.memory_space<semaphore_mem>>)
      %dma_wait3A_480 = arith.constant 1 : i32
      %dma_wait3A_481 = arith.constant 0 : i32
      %dma_wait3A_482 = arith.constant 0 : i32
      %dma_wait3A_483 = tpu.memref_slice %arg10[%arg1, %dma_wait3A_480, %dma_wait3A_481, %dma_wait3A_482] : memref<16x2x16x1024xf32, #tpu.memory_space<vmem_shared>> -> memref<1x1x16x1024xf32, #tpu.memory_space<vmem_shared>>
      %dma_wait3A_484 = tpu.memref_squeeze %dma_wait3A_483 : memref<1x1x16x1024xf32, #tpu.memory_space<vmem_shared>> -> memref<16x1024xf32, #tpu.memory_space<vmem_shared>>
      %dma_wait3A_485 = arith.constant 0 : i32
      %dma_wait3A_486 = arith.constant 0 : i32
      %dma_wait3A_487 = tpu.memref_slice %arg10[%arg1, %dma_wait3A_480, %dma_wait3A_485, %dma_wait3A_486] : memref<16x2x16x1024xf32, #tpu.memory_space<vmem_shared>> -> memref<1x1x16x1024xf32, #tpu.memory_space<vmem_shared>>
      %dma_wait3A_488 = tpu.memref_squeeze %dma_wait3A_487 : memref<1x1x16x1024xf32, #tpu.memory_space<vmem_shared>> -> memref<16x1024xf32, #tpu.memory_space<vmem_shared>>
      tpu.wait_dma2 semaphore(%arg18 : memref<!tpu.dma_semaphore, #tpu.memory_space<semaphore_mem>>) src(%arg9 : memref<16x1024xf32, #tpu.memory_space<vmem>>) dst(%dma_wait3A_488 : memref<16x1024xf32, #tpu.memory_space<vmem_shared>>)
      %mul3A_489 = arith.constant 16 : i32
      %mul3A_490 = arith.muli %add3A_445, %mul3A_489 : i32
      %add3A_491 = arith.addi %mul3A_2, %mul3A_490 : i32
      %dma_start3A_492 = arith.constant 1 : i32
      %dma_start3A_493 = arith.constant 0 : i32
      %dma_start3A_494 = tpu.memref_slice %arg4[%add3A_491, %dma_start3A_493] : memref<32768x1024xf32, #tpu.memory_space<hbm>> -> memref<16x1024xf32, #tpu.memory_space<hbm>>
      %dma_start3A_495 = arith.constant 0 : i32
      %dma_start3A_496 = arith.constant 0 : i32
      %dma_start3A_497 = tpu.memref_slice %arg10[%arg1, %dma_start3A_492, %dma_start3A_495, %dma_start3A_496] : memref<16x2x16x1024xf32, #tpu.memory_space<vmem_shared>> -> memref<1x1x16x1024xf32, #tpu.memory_space<vmem_shared>>
      %dma_start3A_498 = tpu.memref_squeeze %dma_start3A_497 : memref<1x1x16x1024xf32, #tpu.memory_space<vmem_shared>> -> memref<16x1024xf32, #tpu.memory_space<vmem_shared>>
      tpu.enqueue_dma source(%dma_start3A_498 : memref<16x1024xf32, #tpu.memory_space<vmem_shared>>) target(%dma_start3A_494 : memref<16x1024xf32, #tpu.memory_space<hbm>>) target_semaphore(%arg20 : memref<!tpu.dma_semaphore, #tpu.memory_space<semaphore_mem>>)
      %mul3A_499 = arith.constant 4 : i32
      %mul3A_500 = arith.muli %mul3A_499, %scan3A_381 : i32
      %add3A_501 = arith.constant 2 : i32
      %add3A_502 = arith.addi %add3A_501, %mul3A_500 : i32
      %add3A_503 = arith.constant 2 : i32
      %add3A_504 = arith.addi %add3A_502, %add3A_503 : i32
      %dma_wait3A_505 = arith.constant 0 : i32
      %dma_wait3A_506 = tpu.memref_slice %arg5[%dma_wait3A_505] : memref<1024xi32, #tpu.memory_space<vmem>> -> memref<16xi32, #tpu.memory_space<vmem>>
      %dma_wait3A_507 = arith.constant 0 : i32
      %dma_wait3A_508 = arith.constant 0 : i32
      %dma_wait3A_509 = tpu.memref_slice %arg3[%dma_wait3A_507, %dma_wait3A_508] : memref<100000x1024xf32, #tpu.memory_space<hbm>> -> memref<100000x1024xf32, #tpu.memory_space<hbm>>
      tpu.wait_indirect_dma semaphore(%arg11 : memref<!tpu.dma_semaphore, #tpu.memory_space<semaphore_mem>>) src(%dma_wait3A_509 : memref<100000x1024xf32, #tpu.memory_space<hbm>>) dst(%arg6 : memref<16x1024xf32, #tpu.memory_space<vmem>>)
      %add3A_510 = arith.constant 4 : i32
      %add3A_511 = arith.addi %add3A_504, %add3A_510 : i32
      %sub3A_512 = arith.constant 1 : i32
      %sub3A_513 = arith.subi %add3A_511, %sub3A_512 : i32
      %mul3A_514 = arith.constant 16 : i32
      %mul3A_515 = arith.muli %sub3A_513, %mul3A_514 : i32
      %multiple_of3A_516 = tpu.assume_multiple %mul3A_515, 16 : i32
      %dma_start3A_517 = tpu.memref_slice %arg5[%multiple_of3A_516] : memref<1024xi32, #tpu.memory_space<vmem>> -> memref<16xi32, #tpu.memory_space<vmem>>
      %dma_start3A_518 = arith.constant 0 : i32
      %dma_start3A_519 = arith.constant 0 : i32
      %dma_start3A_520 = tpu.memref_slice %arg3[%dma_start3A_518, %dma_start3A_519] : memref<100000x1024xf32, #tpu.memory_space<hbm>> -> memref<100000x1024xf32, #tpu.memory_space<hbm>>
      tpu.enqueue_indirect_dma source(%dma_start3A_520 : memref<100000x1024xf32, #tpu.memory_space<hbm>>) target(%arg9 : memref<16x1024xf32, #tpu.memory_space<vmem>>) offsets(%dma_start3A_517 : memref<16xi32, #tpu.memory_space<vmem>>) semaphore(%arg14 : memref<!tpu.dma_semaphore, #tpu.memory_space<semaphore_mem>>)
      %add3A_521 = arith.constant 0 : i32
      %add3A_522 = arith.addi %mul3A_2, %add3A_521 : i32
      %dma_wait3A_523 = arith.constant 0 : i32
      %dma_wait3A_524 = arith.constant 0 : i32
      %dma_wait3A_525 = tpu.memref_slice %arg4[%add3A_522, %dma_wait3A_524] : memref<32768x1024xf32, #tpu.memory_space<hbm>> -> memref<16x1024xf32, #tpu.memory_space<hbm>>
      %dma_wait3A_526 = arith.constant 0 : i32
      %dma_wait3A_527 = arith.constant 0 : i32
      %dma_wait3A_528 = tpu.memref_slice %arg10[%arg1, %dma_wait3A_523, %dma_wait3A_526, %dma_wait3A_527] : memref<16x2x16x1024xf32, #tpu.memory_space<vmem_shared>> -> memref<1x1x16x1024xf32, #tpu.memory_space<vmem_shared>>
      %dma_wait3A_529 = tpu.memref_squeeze %dma_wait3A_528 : memref<1x1x16x1024xf32, #tpu.memory_space<vmem_shared>> -> memref<16x1024xf32, #tpu.memory_space<vmem_shared>>
      tpu.wait_dma2 semaphore(%arg19 : memref<!tpu.dma_semaphore, #tpu.memory_space<semaphore_mem>>) src(%dma_wait3A_529 : memref<16x1024xf32, #tpu.memory_space<vmem_shared>>) dst(%dma_wait3A_525 : memref<16x1024xf32, #tpu.memory_space<hbm>>)
      %dma_start3A_530 = arith.constant 0 : i32
      %dma_start3A_531 = arith.constant 0 : i32
      %dma_start3A_532 = arith.constant 0 : i32
      %dma_start3A_533 = tpu.memref_slice %arg10[%arg1, %dma_start3A_530, %dma_start3A_531, %dma_start3A_532] : memref<16x2x16x1024xf32, #tpu.memory_space<vmem_shared>> -> memref<1x1x16x1024xf32, #tpu.memory_space<vmem_shared>>
      %dma_start3A_534 = tpu.memref_squeeze %dma_start3A_533 : memref<1x1x16x1024xf32, #tpu.memory_space<vmem_shared>> -> memref<16x1024xf32, #tpu.memory_space<vmem_shared>>
      %dma_start3A_535 = arith.constant 0 : i32
      %dma_start3A_536 = arith.constant 0 : i32
      %dma_start3A_537 = tpu.memref_slice %arg10[%arg1, %dma_start3A_530, %dma_start3A_535, %dma_start3A_536] : memref<16x2x16x1024xf32, #tpu.memory_space<vmem_shared>> -> memref<1x1x16x1024xf32, #tpu.memory_space<vmem_shared>>
      %dma_start3A_538 = tpu.memref_squeeze %dma_start3A_537 : memref<1x1x16x1024xf32, #tpu.memory_space<vmem_shared>> -> memref<16x1024xf32, #tpu.memory_space<vmem_shared>>
      tpu.enqueue_dma source(%arg6 : memref<16x1024xf32, #tpu.memory_space<vmem>>) target(%dma_start3A_538 : memref<16x1024xf32, #tpu.memory_space<vmem_shared>>) target_semaphore(%arg15 : memref<!tpu.dma_semaphore, #tpu.memory_space<semaphore_mem>>)
      %dma_wait3A_539 = arith.constant 0 : i32
      %dma_wait3A_540 = arith.constant 0 : i32
      %dma_wait3A_541 = arith.constant 0 : i32
      %dma_wait3A_542 = tpu.memref_slice %arg10[%arg1, %dma_wait3A_539, %dma_wait3A_540, %dma_wait3A_541] : memref<16x2x16x1024xf32, #tpu.memory_space<vmem_shared>> -> memref<1x1x16x1024xf32, #tpu.memory_space<vmem_shared>>
      %dma_wait3A_543 = tpu.memref_squeeze %dma_wait3A_542 : memref<1x1x16x1024xf32, #tpu.memory_space<vmem_shared>> -> memref<16x1024xf32, #tpu.memory_space<vmem_shared>>
      %dma_wait3A_544 = arith.constant 0 : i32
      %dma_wait3A_545 = arith.constant 0 : i32
      %dma_wait3A_546 = tpu.memref_slice %arg10[%arg1, %dma_wait3A_539, %dma_wait3A_544, %dma_wait3A_545] : memref<16x2x16x1024xf32, #tpu.memory_space<vmem_shared>> -> memref<1x1x16x1024xf32, #tpu.memory_space<vmem_shared>>
      %dma_wait3A_547 = tpu.memref_squeeze %dma_wait3A_546 : memref<1x1x16x1024xf32, #tpu.memory_space<vmem_shared>> -> memref<16x1024xf32, #tpu.memory_space<vmem_shared>>
      tpu.wait_dma2 semaphore(%arg15 : memref<!tpu.dma_semaphore, #tpu.memory_space<semaphore_mem>>) src(%arg6 : memref<16x1024xf32, #tpu.memory_space<vmem>>) dst(%dma_wait3A_547 : memref<16x1024xf32, #tpu.memory_space<vmem_shared>>)
      %mul3A_548 = arith.constant 16 : i32
      %mul3A_549 = arith.muli %add3A_504, %mul3A_548 : i32
      %add3A_550 = arith.addi %mul3A_2, %mul3A_549 : i32
      %dma_start3A_551 = arith.constant 0 : i32
      %dma_start3A_552 = arith.constant 0 : i32
      %dma_start3A_553 = tpu.memref_slice %arg4[%add3A_550, %dma_start3A_552] : memref<32768x1024xf32, #tpu.memory_space<hbm>> -> memref<16x1024xf32, #tpu.memory_space<hbm>>
      %dma_start3A_554 = arith.constant 0 : i32
      %dma_start3A_555 = arith.constant 0 : i32
      %dma_start3A_556 = tpu.memref_slice %arg10[%arg1, %dma_start3A_551, %dma_start3A_554, %dma_start3A_555] : memref<16x2x16x1024xf32, #tpu.memory_space<vmem_shared>> -> memref<1x1x16x1024xf32, #tpu.memory_space<vmem_shared>>
      %dma_start3A_557 = tpu.memref_squeeze %dma_start3A_556 : memref<1x1x16x1024xf32, #tpu.memory_space<vmem_shared>> -> memref<16x1024xf32, #tpu.memory_space<vmem_shared>>
      tpu.enqueue_dma source(%dma_start3A_557 : memref<16x1024xf32, #tpu.memory_space<vmem_shared>>) target(%dma_start3A_553 : memref<16x1024xf32, #tpu.memory_space<hbm>>) target_semaphore(%arg19 : memref<!tpu.dma_semaphore, #tpu.memory_space<semaphore_mem>>)
      %mul3A_558 = arith.constant 4 : i32
      %mul3A_559 = arith.muli %mul3A_558, %scan3A_381 : i32
      %add3A_560 = arith.constant 2 : i32
      %add3A_561 = arith.addi %add3A_560, %mul3A_559 : i32
      %add3A_562 = arith.constant 3 : i32
      %add3A_563 = arith.addi %add3A_561, %add3A_562 : i32
      %dma_wait3A_564 = arith.constant 0 : i32
      %dma_wait3A_565 = tpu.memref_slice %arg5[%dma_wait3A_564] : memref<1024xi32, #tpu.memory_space<vmem>> -> memref<16xi32, #tpu.memory_space<vmem>>
      %dma_wait3A_566 = arith.constant 0 : i32
      %dma_wait3A_567 = arith.constant 0 : i32
      %dma_wait3A_568 = tpu.memref_slice %arg3[%dma_wait3A_566, %dma_wait3A_567] : memref<100000x1024xf32, #tpu.memory_space<hbm>> -> memref<100000x1024xf32, #tpu.memory_space<hbm>>
      tpu.wait_indirect_dma semaphore(%arg12 : memref<!tpu.dma_semaphore, #tpu.memory_space<semaphore_mem>>) src(%dma_wait3A_568 : memref<100000x1024xf32, #tpu.memory_space<hbm>>) dst(%arg7 : memref<16x1024xf32, #tpu.memory_space<vmem>>)
      %add3A_569 = arith.constant 4 : i32
      %add3A_570 = arith.addi %add3A_563, %add3A_569 : i32
      %sub3A_571 = arith.constant 1 : i32
      %sub3A_572 = arith.subi %add3A_570, %sub3A_571 : i32
      %mul3A_573 = arith.constant 16 : i32
      %mul3A_574 = arith.muli %sub3A_572, %mul3A_573 : i32
      %multiple_of3A_575 = tpu.assume_multiple %mul3A_574, 16 : i32
      %dma_start3A_576 = tpu.memref_slice %arg5[%multiple_of3A_575] : memref<1024xi32, #tpu.memory_space<vmem>> -> memref<16xi32, #tpu.memory_space<vmem>>
      %dma_start3A_577 = arith.constant 0 : i32
      %dma_start3A_578 = arith.constant 0 : i32
      %dma_start3A_579 = tpu.memref_slice %arg3[%dma_start3A_577, %dma_start3A_578] : memref<100000x1024xf32, #tpu.memory_space<hbm>> -> memref<100000x1024xf32, #tpu.memory_space<hbm>>
      tpu.enqueue_indirect_dma source(%dma_start3A_579 : memref<100000x1024xf32, #tpu.memory_space<hbm>>) target(%arg6 : memref<16x1024xf32, #tpu.memory_space<vmem>>) offsets(%dma_start3A_576 : memref<16xi32, #tpu.memory_space<vmem>>) semaphore(%arg11 : memref<!tpu.dma_semaphore, #tpu.memory_space<semaphore_mem>>)
      %add3A_580 = arith.constant 0 : i32
      %add3A_581 = arith.addi %mul3A_2, %add3A_580 : i32
      %dma_wait3A_582 = arith.constant 1 : i32
      %dma_wait3A_583 = arith.constant 0 : i32
      %dma_wait3A_584 = tpu.memref_slice %arg4[%add3A_581, %dma_wait3A_583] : memref<32768x1024xf32, #tpu.memory_space<hbm>> -> memref<16x1024xf32, #tpu.memory_space<hbm>>
      %dma_wait3A_585 = arith.constant 0 : i32
      %dma_wait3A_586 = arith.constant 0 : i32
      %dma_wait3A_587 = tpu.memref_slice %arg10[%arg1, %dma_wait3A_582, %dma_wait3A_585, %dma_wait3A_586] : memref<16x2x16x1024xf32, #tpu.memory_space<vmem_shared>> -> memref<1x1x16x1024xf32, #tpu.memory_space<vmem_shared>>
      %dma_wait3A_588 = tpu.memref_squeeze %dma_wait3A_587 : memref<1x1x16x1024xf32, #tpu.memory_space<vmem_shared>> -> memref<16x1024xf32, #tpu.memory_space<vmem_shared>>
      tpu.wait_dma2 semaphore(%arg20 : memref<!tpu.dma_semaphore, #tpu.memory_space<semaphore_mem>>) src(%dma_wait3A_588 : memref<16x1024xf32, #tpu.memory_space<vmem_shared>>) dst(%dma_wait3A_584 : memref<16x1024xf32, #tpu.memory_space<hbm>>)
      %dma_start3A_589 = arith.constant 1 : i32
      %dma_start3A_590 = arith.constant 0 : i32
      %dma_start3A_591 = arith.constant 0 : i32
      %dma_start3A_592 = tpu.memref_slice %arg10[%arg1, %dma_start3A_589, %dma_start3A_590, %dma_start3A_591] : memref<16x2x16x1024xf32, #tpu.memory_space<vmem_shared>> -> memref<1x1x16x1024xf32, #tpu.memory_space<vmem_shared>>
      %dma_start3A_593 = tpu.memref_squeeze %dma_start3A_592 : memref<1x1x16x1024xf32, #tpu.memory_space<vmem_shared>> -> memref<16x1024xf32, #tpu.memory_space<vmem_shared>>
      %dma_start3A_594 = arith.constant 0 : i32
      %dma_start3A_595 = arith.constant 0 : i32
      %dma_start3A_596 = tpu.memref_slice %arg10[%arg1, %dma_start3A_589, %dma_start3A_594, %dma_start3A_595] : memref<16x2x16x1024xf32, #tpu.memory_space<vmem_shared>> -> memref<1x1x16x1024xf32, #tpu.memory_space<vmem_shared>>
      %dma_start3A_597 = tpu.memref_squeeze %dma_start3A_596 : memref<1x1x16x1024xf32, #tpu.memory_space<vmem_shared>> -> memref<16x1024xf32, #tpu.memory_space<vmem_shared>>
      tpu.enqueue_dma source(%arg7 : memref<16x1024xf32, #tpu.memory_space<vmem>>) target(%dma_start3A_597 : memref<16x1024xf32, #tpu.memory_space<vmem_shared>>) target_semaphore(%arg16 : memref<!tpu.dma_semaphore, #tpu.memory_space<semaphore_mem>>)
      %dma_wait3A_598 = arith.constant 1 : i32
      %dma_wait3A_599 = arith.constant 0 : i32
      %dma_wait3A_600 = arith.constant 0 : i32
      %dma_wait3A_601 = tpu.memref_slice %arg10[%arg1, %dma_wait3A_598, %dma_wait3A_599, %dma_wait3A_600] : memref<16x2x16x1024xf32, #tpu.memory_space<vmem_shared>> -> memref<1x1x16x1024xf32, #tpu.memory_space<vmem_shared>>
      %dma_wait3A_602 = tpu.memref_squeeze %dma_wait3A_601 : memref<1x1x16x1024xf32, #tpu.memory_space<vmem_shared>> -> memref<16x1024xf32, #tpu.memory_space<vmem_shared>>
      %dma_wait3A_603 = arith.constant 0 : i32
      %dma_wait3A_604 = arith.constant 0 : i32
      %dma_wait3A_605 = tpu.memref_slice %arg10[%arg1, %dma_wait3A_598, %dma_wait3A_603, %dma_wait3A_604] : memref<16x2x16x1024xf32, #tpu.memory_space<vmem_shared>> -> memref<1x1x16x1024xf32, #tpu.memory_space<vmem_shared>>
      %dma_wait3A_606 = tpu.memref_squeeze %dma_wait3A_605 : memref<1x1x16x1024xf32, #tpu.memory_space<vmem_shared>> -> memref<16x1024xf32, #tpu.memory_space<vmem_shared>>
      tpu.wait_dma2 semaphore(%arg16 : memref<!tpu.dma_semaphore, #tpu.memory_space<semaphore_mem>>) src(%arg7 : memref<16x1024xf32, #tpu.memory_space<vmem>>) dst(%dma_wait3A_606 : memref<16x1024xf32, #tpu.memory_space<vmem_shared>>)
      %mul3A_607 = arith.constant 16 : i32
      %mul3A_608 = arith.muli %add3A_563, %mul3A_607 : i32
      %add3A_609 = arith.addi %mul3A_2, %mul3A_608 : i32
      %dma_start3A_610 = arith.constant 1 : i32
      %dma_start3A_611 = arith.constant 0 : i32
      %dma_start3A_612 = tpu.memref_slice %arg4[%add3A_609, %dma_start3A_611] : memref<32768x1024xf32, #tpu.memory_space<hbm>> -> memref<16x1024xf32, #tpu.memory_space<hbm>>
      %dma_start3A_613 = arith.constant 0 : i32
      %dma_start3A_614 = arith.constant 0 : i32
      %dma_start3A_615 = tpu.memref_slice %arg10[%arg1, %dma_start3A_610, %dma_start3A_613, %dma_start3A_614] : memref<16x2x16x1024xf32, #tpu.memory_space<vmem_shared>> -> memref<1x1x16x1024xf32, #tpu.memory_space<vmem_shared>>
      %dma_start3A_616 = tpu.memref_squeeze %dma_start3A_615 : memref<1x1x16x1024xf32, #tpu.memory_space<vmem_shared>> -> memref<16x1024xf32, #tpu.memory_space<vmem_shared>>
      tpu.enqueue_dma source(%dma_start3A_616 : memref<16x1024xf32, #tpu.memory_space<vmem_shared>>) target(%dma_start3A_612 : memref<16x1024xf32, #tpu.memory_space<hbm>>) target_semaphore(%arg20 : memref<!tpu.dma_semaphore, #tpu.memory_space<semaphore_mem>>)
    }
    %scan3A_98 = arith.constant 14 : i32
    %dma_wait3A_99 = arith.constant 0 : i32
    %dma_wait3A_100 = tpu.memref_slice %arg5[%dma_wait3A_99] : memref<1024xi32, #tpu.memory_space<vmem>> -> memref<16xi32, #tpu.memory_space<vmem>>
    %dma_wait3A_101 = arith.constant 0 : i32
    %dma_wait3A_102 = arith.constant 0 : i32
    %dma_wait3A_103 = tpu.memref_slice %arg3[%dma_wait3A_101, %dma_wait3A_102] : memref<100000x1024xf32, #tpu.memory_space<hbm>> -> memref<100000x1024xf32, #tpu.memory_space<hbm>>
    tpu.wait_indirect_dma semaphore(%arg13 : memref<!tpu.dma_semaphore, #tpu.memory_space<semaphore_mem>>) src(%dma_wait3A_103 : memref<100000x1024xf32, #tpu.memory_space<hbm>>) dst(%arg8 : memref<16x1024xf32, #tpu.memory_space<vmem>>)
    %multiple_of3A_104 = arith.constant 976 : i32
    %multiple_of3A_105 = tpu.assume_multiple %multiple_of3A_104, 16 : i32
    %dma_start3A_106 = tpu.memref_slice %arg5[%multiple_of3A_105] : memref<1024xi32, #tpu.memory_space<vmem>> -> memref<16xi32, #tpu.memory_space<vmem>>
    %dma_start3A_107 = arith.constant 0 : i32
    %dma_start3A_108 = arith.constant 0 : i32
    %dma_start3A_109 = tpu.memref_slice %arg3[%dma_start3A_107, %dma_start3A_108] : memref<100000x1024xf32, #tpu.memory_space<hbm>> -> memref<100000x1024xf32, #tpu.memory_space<hbm>>
    tpu.enqueue_indirect_dma source(%dma_start3A_109 : memref<100000x1024xf32, #tpu.memory_space<hbm>>) target(%arg7 : memref<16x1024xf32, #tpu.memory_space<vmem>>) offsets(%dma_start3A_106 : memref<16xi32, #tpu.memory_space<vmem>>) semaphore(%arg12 : memref<!tpu.dma_semaphore, #tpu.memory_space<semaphore_mem>>)
    %add3A_110 = arith.constant 0 : i32
    %add3A_111 = arith.addi %mul3A_2, %add3A_110 : i32
    %dma_wait3A_112 = arith.constant 0 : i32
    %dma_wait3A_113 = arith.constant 0 : i32
    %dma_wait3A_114 = tpu.memref_slice %arg4[%add3A_111, %dma_wait3A_113] : memref<32768x1024xf32, #tpu.memory_space<hbm>> -> memref<16x1024xf32, #tpu.memory_space<hbm>>
    %dma_wait3A_115 = arith.constant 0 : i32
    %dma_wait3A_116 = arith.constant 0 : i32
    %dma_wait3A_117 = tpu.memref_slice %arg10[%arg1, %dma_wait3A_112, %dma_wait3A_115, %dma_wait3A_116] : memref<16x2x16x1024xf32, #tpu.memory_space<vmem_shared>> -> memref<1x1x16x1024xf32, #tpu.memory_space<vmem_shared>>
    %dma_wait3A_118 = tpu.memref_squeeze %dma_wait3A_117 : memref<1x1x16x1024xf32, #tpu.memory_space<vmem_shared>> -> memref<16x1024xf32, #tpu.memory_space<vmem_shared>>
    tpu.wait_dma2 semaphore(%arg19 : memref<!tpu.dma_semaphore, #tpu.memory_space<semaphore_mem>>) src(%dma_wait3A_118 : memref<16x1024xf32, #tpu.memory_space<vmem_shared>>) dst(%dma_wait3A_114 : memref<16x1024xf32, #tpu.memory_space<hbm>>)
    %dma_start3A_119 = arith.constant 0 : i32
    %dma_start3A_120 = arith.constant 0 : i32
    %dma_start3A_121 = arith.constant 0 : i32
    %dma_start3A_122 = tpu.memref_slice %arg10[%arg1, %dma_start3A_119, %dma_start3A_120, %dma_start3A_121] : memref<16x2x16x1024xf32, #tpu.memory_space<vmem_shared>> -> memref<1x1x16x1024xf32, #tpu.memory_space<vmem_shared>>
    %dma_start3A_123 = tpu.memref_squeeze %dma_start3A_122 : memref<1x1x16x1024xf32, #tpu.memory_space<vmem_shared>> -> memref<16x1024xf32, #tpu.memory_space<vmem_shared>>
    %dma_start3A_124 = arith.constant 0 : i32
    %dma_start3A_125 = arith.constant 0 : i32
    %dma_start3A_126 = tpu.memref_slice %arg10[%arg1, %dma_start3A_119, %dma_start3A_124, %dma_start3A_125] : memref<16x2x16x1024xf32, #tpu.memory_space<vmem_shared>> -> memref<1x1x16x1024xf32, #tpu.memory_space<vmem_shared>>
    %dma_start3A_127 = tpu.memref_squeeze %dma_start3A_126 : memref<1x1x16x1024xf32, #tpu.memory_space<vmem_shared>> -> memref<16x1024xf32, #tpu.memory_space<vmem_shared>>
    tpu.enqueue_dma source(%arg8 : memref<16x1024xf32, #tpu.memory_space<vmem>>) target(%dma_start3A_127 : memref<16x1024xf32, #tpu.memory_space<vmem_shared>>) target_semaphore(%arg17 : memref<!tpu.dma_semaphore, #tpu.memory_space<semaphore_mem>>)
    %dma_wait3A_128 = arith.constant 0 : i32
    %dma_wait3A_129 = arith.constant 0 : i32
    %dma_wait3A_130 = arith.constant 0 : i32
    %dma_wait3A_131 = tpu.memref_slice %arg10[%arg1, %dma_wait3A_128, %dma_wait3A_129, %dma_wait3A_130] : memref<16x2x16x1024xf32, #tpu.memory_space<vmem_shared>> -> memref<1x1x16x1024xf32, #tpu.memory_space<vmem_shared>>
    %dma_wait3A_132 = tpu.memref_squeeze %dma_wait3A_131 : memref<1x1x16x1024xf32, #tpu.memory_space<vmem_shared>> -> memref<16x1024xf32, #tpu.memory_space<vmem_shared>>
    %dma_wait3A_133 = arith.constant 0 : i32
    %dma_wait3A_134 = arith.constant 0 : i32
    %dma_wait3A_135 = tpu.memref_slice %arg10[%arg1, %dma_wait3A_128, %dma_wait3A_133, %dma_wait3A_134] : memref<16x2x16x1024xf32, #tpu.memory_space<vmem_shared>> -> memref<1x1x16x1024xf32, #tpu.memory_space<vmem_shared>>
    %dma_wait3A_136 = tpu.memref_squeeze %dma_wait3A_135 : memref<1x1x16x1024xf32, #tpu.memory_space<vmem_shared>> -> memref<16x1024xf32, #tpu.memory_space<vmem_shared>>
    tpu.wait_dma2 semaphore(%arg17 : memref<!tpu.dma_semaphore, #tpu.memory_space<semaphore_mem>>) src(%arg8 : memref<16x1024xf32, #tpu.memory_space<vmem>>) dst(%dma_wait3A_136 : memref<16x1024xf32, #tpu.memory_space<vmem_shared>>)
    %add3A_137 = arith.constant 928 : i32
    %add3A_138 = arith.addi %mul3A_2, %add3A_137 : i32
    %dma_start3A_139 = arith.constant 0 : i32
    %dma_start3A_140 = arith.constant 0 : i32
    %dma_start3A_141 = tpu.memref_slice %arg4[%add3A_138, %dma_start3A_140] : memref<32768x1024xf32, #tpu.memory_space<hbm>> -> memref<16x1024xf32, #tpu.memory_space<hbm>>
    %dma_start3A_142 = arith.constant 0 : i32
    %dma_start3A_143 = arith.constant 0 : i32
    %dma_start3A_144 = tpu.memref_slice %arg10[%arg1, %dma_start3A_139, %dma_start3A_142, %dma_start3A_143] : memref<16x2x16x1024xf32, #tpu.memory_space<vmem_shared>> -> memref<1x1x16x1024xf32, #tpu.memory_space<vmem_shared>>
    %dma_start3A_145 = tpu.memref_squeeze %dma_start3A_144 : memref<1x1x16x1024xf32, #tpu.memory_space<vmem_shared>> -> memref<16x1024xf32, #tpu.memory_space<vmem_shared>>
    tpu.enqueue_dma source(%dma_start3A_145 : memref<16x1024xf32, #tpu.memory_space<vmem_shared>>) target(%dma_start3A_141 : memref<16x1024xf32, #tpu.memory_space<hbm>>) target_semaphore(%arg19 : memref<!tpu.dma_semaphore, #tpu.memory_space<semaphore_mem>>)
    %dma_wait3A_146 = arith.constant 0 : i32
    %dma_wait3A_147 = tpu.memref_slice %arg5[%dma_wait3A_146] : memref<1024xi32, #tpu.memory_space<vmem>> -> memref<16xi32, #tpu.memory_space<vmem>>
    %dma_wait3A_148 = arith.constant 0 : i32
    %dma_wait3A_149 = arith.constant 0 : i32
    %dma_wait3A_150 = tpu.memref_slice %arg3[%dma_wait3A_148, %dma_wait3A_149] : memref<100000x1024xf32, #tpu.memory_space<hbm>> -> memref<100000x1024xf32, #tpu.memory_space<hbm>>
    tpu.wait_indirect_dma semaphore(%arg14 : memref<!tpu.dma_semaphore, #tpu.memory_space<semaphore_mem>>) src(%dma_wait3A_150 : memref<100000x1024xf32, #tpu.memory_space<hbm>>) dst(%arg9 : memref<16x1024xf32, #tpu.memory_space<vmem>>)
    %multiple_of3A_151 = arith.constant 992 : i32
    %multiple_of3A_152 = tpu.assume_multiple %multiple_of3A_151, 16 : i32
    %dma_start3A_153 = tpu.memref_slice %arg5[%multiple_of3A_152] : memref<1024xi32, #tpu.memory_space<vmem>> -> memref<16xi32, #tpu.memory_space<vmem>>
    %dma_start3A_154 = arith.constant 0 : i32
    %dma_start3A_155 = arith.constant 0 : i32
    %dma_start3A_156 = tpu.memref_slice %arg3[%dma_start3A_154, %dma_start3A_155] : memref<100000x1024xf32, #tpu.memory_space<hbm>> -> memref<100000x1024xf32, #tpu.memory_space<hbm>>
    tpu.enqueue_indirect_dma source(%dma_start3A_156 : memref<100000x1024xf32, #tpu.memory_space<hbm>>) target(%arg8 : memref<16x1024xf32, #tpu.memory_space<vmem>>) offsets(%dma_start3A_153 : memref<16xi32, #tpu.memory_space<vmem>>) semaphore(%arg13 : memref<!tpu.dma_semaphore, #tpu.memory_space<semaphore_mem>>)
    %add3A_157 = arith.constant 0 : i32
    %add3A_158 = arith.addi %mul3A_2, %add3A_157 : i32
    %dma_wait3A_159 = arith.constant 1 : i32
    %dma_wait3A_160 = arith.constant 0 : i32
    %dma_wait3A_161 = tpu.memref_slice %arg4[%add3A_158, %dma_wait3A_160] : memref<32768x1024xf32, #tpu.memory_space<hbm>> -> memref<16x1024xf32, #tpu.memory_space<hbm>>
    %dma_wait3A_162 = arith.constant 0 : i32
    %dma_wait3A_163 = arith.constant 0 : i32
    %dma_wait3A_164 = tpu.memref_slice %arg10[%arg1, %dma_wait3A_159, %dma_wait3A_162, %dma_wait3A_163] : memref<16x2x16x1024xf32, #tpu.memory_space<vmem_shared>> -> memref<1x1x16x1024xf32, #tpu.memory_space<vmem_shared>>
    %dma_wait3A_165 = tpu.memref_squeeze %dma_wait3A_164 : memref<1x1x16x1024xf32, #tpu.memory_space<vmem_shared>> -> memref<16x1024xf32, #tpu.memory_space<vmem_shared>>
    tpu.wait_dma2 semaphore(%arg20 : memref<!tpu.dma_semaphore, #tpu.memory_space<semaphore_mem>>) src(%dma_wait3A_165 : memref<16x1024xf32, #tpu.memory_space<vmem_shared>>) dst(%dma_wait3A_161 : memref<16x1024xf32, #tpu.memory_space<hbm>>)
    %dma_start3A_166 = arith.constant 1 : i32
    %dma_start3A_167 = arith.constant 0 : i32
    %dma_start3A_168 = arith.constant 0 : i32
    %dma_start3A_169 = tpu.memref_slice %arg10[%arg1, %dma_start3A_166, %dma_start3A_167, %dma_start3A_168] : memref<16x2x16x1024xf32, #tpu.memory_space<vmem_shared>> -> memref<1x1x16x1024xf32, #tpu.memory_space<vmem_shared>>
    %dma_start3A_170 = tpu.memref_squeeze %dma_start3A_169 : memref<1x1x16x1024xf32, #tpu.memory_space<vmem_shared>> -> memref<16x1024xf32, #tpu.memory_space<vmem_shared>>
    %dma_start3A_171 = arith.constant 0 : i32
    %dma_start3A_172 = arith.constant 0 : i32
    %dma_start3A_173 = tpu.memref_slice %arg10[%arg1, %dma_start3A_166, %dma_start3A_171, %dma_start3A_172] : memref<16x2x16x1024xf32, #tpu.memory_space<vmem_shared>> -> memref<1x1x16x1024xf32, #tpu.memory_space<vmem_shared>>
    %dma_start3A_174 = tpu.memref_squeeze %dma_start3A_173 : memref<1x1x16x1024xf32, #tpu.memory_space<vmem_shared>> -> memref<16x1024xf32, #tpu.memory_space<vmem_shared>>
    tpu.enqueue_dma source(%arg9 : memref<16x1024xf32, #tpu.memory_space<vmem>>) target(%dma_start3A_174 : memref<16x1024xf32, #tpu.memory_space<vmem_shared>>) target_semaphore(%arg18 : memref<!tpu.dma_semaphore, #tpu.memory_space<semaphore_mem>>)
    %dma_wait3A_175 = arith.constant 1 : i32
    %dma_wait3A_176 = arith.constant 0 : i32
    %dma_wait3A_177 = arith.constant 0 : i32
    %dma_wait3A_178 = tpu.memref_slice %arg10[%arg1, %dma_wait3A_175, %dma_wait3A_176, %dma_wait3A_177] : memref<16x2x16x1024xf32, #tpu.memory_space<vmem_shared>> -> memref<1x1x16x1024xf32, #tpu.memory_space<vmem_shared>>
    %dma_wait3A_179 = tpu.memref_squeeze %dma_wait3A_178 : memref<1x1x16x1024xf32, #tpu.memory_space<vmem_shared>> -> memref<16x1024xf32, #tpu.memory_space<vmem_shared>>
    %dma_wait3A_180 = arith.constant 0 : i32
    %dma_wait3A_181 = arith.constant 0 : i32
    %dma_wait3A_182 = tpu.memref_slice %arg10[%arg1, %dma_wait3A_175, %dma_wait3A_180, %dma_wait3A_181] : memref<16x2x16x1024xf32, #tpu.memory_space<vmem_shared>> -> memref<1x1x16x1024xf32, #tpu.memory_space<vmem_shared>>
    %dma_wait3A_183 = tpu.memref_squeeze %dma_wait3A_182 : memref<1x1x16x1024xf32, #tpu.memory_space<vmem_shared>> -> memref<16x1024xf32, #tpu.memory_space<vmem_shared>>
    tpu.wait_dma2 semaphore(%arg18 : memref<!tpu.dma_semaphore, #tpu.memory_space<semaphore_mem>>) src(%arg9 : memref<16x1024xf32, #tpu.memory_space<vmem>>) dst(%dma_wait3A_183 : memref<16x1024xf32, #tpu.memory_space<vmem_shared>>)
    %add3A_184 = arith.constant 944 : i32
    %add3A_185 = arith.addi %mul3A_2, %add3A_184 : i32
    %dma_start3A_186 = arith.constant 1 : i32
    %dma_start3A_187 = arith.constant 0 : i32
    %dma_start3A_188 = tpu.memref_slice %arg4[%add3A_185, %dma_start3A_187] : memref<32768x1024xf32, #tpu.memory_space<hbm>> -> memref<16x1024xf32, #tpu.memory_space<hbm>>
    %dma_start3A_189 = arith.constant 0 : i32
    %dma_start3A_190 = arith.constant 0 : i32
    %dma_start3A_191 = tpu.memref_slice %arg10[%arg1, %dma_start3A_186, %dma_start3A_189, %dma_start3A_190] : memref<16x2x16x1024xf32, #tpu.memory_space<vmem_shared>> -> memref<1x1x16x1024xf32, #tpu.memory_space<vmem_shared>>
    %dma_start3A_192 = tpu.memref_squeeze %dma_start3A_191 : memref<1x1x16x1024xf32, #tpu.memory_space<vmem_shared>> -> memref<16x1024xf32, #tpu.memory_space<vmem_shared>>
    tpu.enqueue_dma source(%dma_start3A_192 : memref<16x1024xf32, #tpu.memory_space<vmem_shared>>) target(%dma_start3A_188 : memref<16x1024xf32, #tpu.memory_space<hbm>>) target_semaphore(%arg20 : memref<!tpu.dma_semaphore, #tpu.memory_space<semaphore_mem>>)
    %dma_wait3A_193 = arith.constant 0 : i32
    %dma_wait3A_194 = tpu.memref_slice %arg5[%dma_wait3A_193] : memref<1024xi32, #tpu.memory_space<vmem>> -> memref<16xi32, #tpu.memory_space<vmem>>
    %dma_wait3A_195 = arith.constant 0 : i32
    %dma_wait3A_196 = arith.constant 0 : i32
    %dma_wait3A_197 = tpu.memref_slice %arg3[%dma_wait3A_195, %dma_wait3A_196] : memref<100000x1024xf32, #tpu.memory_space<hbm>> -> memref<100000x1024xf32, #tpu.memory_space<hbm>>
    tpu.wait_indirect_dma semaphore(%arg11 : memref<!tpu.dma_semaphore, #tpu.memory_space<semaphore_mem>>) src(%dma_wait3A_197 : memref<100000x1024xf32, #tpu.memory_space<hbm>>) dst(%arg6 : memref<16x1024xf32, #tpu.memory_space<vmem>>)
    %multiple_of3A_198 = arith.constant 1008 : i32
    %multiple_of3A_199 = tpu.assume_multiple %multiple_of3A_198, 16 : i32
    %dma_start3A_200 = tpu.memref_slice %arg5[%multiple_of3A_199] : memref<1024xi32, #tpu.memory_space<vmem>> -> memref<16xi32, #tpu.memory_space<vmem>>
    %dma_start3A_201 = arith.constant 0 : i32
    %dma_start3A_202 = arith.constant 0 : i32
    %dma_start3A_203 = tpu.memref_slice %arg3[%dma_start3A_201, %dma_start3A_202] : memref<100000x1024xf32, #tpu.memory_space<hbm>> -> memref<100000x1024xf32, #tpu.memory_space<hbm>>
    tpu.enqueue_indirect_dma source(%dma_start3A_203 : memref<100000x1024xf32, #tpu.memory_space<hbm>>) target(%arg9 : memref<16x1024xf32, #tpu.memory_space<vmem>>) offsets(%dma_start3A_200 : memref<16xi32, #tpu.memory_space<vmem>>) semaphore(%arg14 : memref<!tpu.dma_semaphore, #tpu.memory_space<semaphore_mem>>)
    %add3A_204 = arith.constant 0 : i32
    %add3A_205 = arith.addi %mul3A_2, %add3A_204 : i32
    %dma_wait3A_206 = arith.constant 0 : i32
    %dma_wait3A_207 = arith.constant 0 : i32
    %dma_wait3A_208 = tpu.memref_slice %arg4[%add3A_205, %dma_wait3A_207] : memref<32768x1024xf32, #tpu.memory_space<hbm>> -> memref<16x1024xf32, #tpu.memory_space<hbm>>
    %dma_wait3A_209 = arith.constant 0 : i32
    %dma_wait3A_210 = arith.constant 0 : i32
    %dma_wait3A_211 = tpu.memref_slice %arg10[%arg1, %dma_wait3A_206, %dma_wait3A_209, %dma_wait3A_210] : memref<16x2x16x1024xf32, #tpu.memory_space<vmem_shared>> -> memref<1x1x16x1024xf32, #tpu.memory_space<vmem_shared>>
    %dma_wait3A_212 = tpu.memref_squeeze %dma_wait3A_211 : memref<1x1x16x1024xf32, #tpu.memory_space<vmem_shared>> -> memref<16x1024xf32, #tpu.memory_space<vmem_shared>>
    tpu.wait_dma2 semaphore(%arg19 : memref<!tpu.dma_semaphore, #tpu.memory_space<semaphore_mem>>) src(%dma_wait3A_212 : memref<16x1024xf32, #tpu.memory_space<vmem_shared>>) dst(%dma_wait3A_208 : memref<16x1024xf32, #tpu.memory_space<hbm>>)
    %dma_start3A_213 = arith.constant 0 : i32
    %dma_start3A_214 = arith.constant 0 : i32
    %dma_start3A_215 = arith.constant 0 : i32
    %dma_start3A_216 = tpu.memref_slice %arg10[%arg1, %dma_start3A_213, %dma_start3A_214, %dma_start3A_215] : memref<16x2x16x1024xf32, #tpu.memory_space<vmem_shared>> -> memref<1x1x16x1024xf32, #tpu.memory_space<vmem_shared>>
    %dma_start3A_217 = tpu.memref_squeeze %dma_start3A_216 : memref<1x1x16x1024xf32, #tpu.memory_space<vmem_shared>> -> memref<16x1024xf32, #tpu.memory_space<vmem_shared>>
    %dma_start3A_218 = arith.constant 0 : i32
    %dma_start3A_219 = arith.constant 0 : i32
    %dma_start3A_220 = tpu.memref_slice %arg10[%arg1, %dma_start3A_213, %dma_start3A_218, %dma_start3A_219] : memref<16x2x16x1024xf32, #tpu.memory_space<vmem_shared>> -> memref<1x1x16x1024xf32, #tpu.memory_space<vmem_shared>>
    %dma_start3A_221 = tpu.memref_squeeze %dma_start3A_220 : memref<1x1x16x1024xf32, #tpu.memory_space<vmem_shared>> -> memref<16x1024xf32, #tpu.memory_space<vmem_shared>>
    tpu.enqueue_dma source(%arg6 : memref<16x1024xf32, #tpu.memory_space<vmem>>) target(%dma_start3A_221 : memref<16x1024xf32, #tpu.memory_space<vmem_shared>>) target_semaphore(%arg15 : memref<!tpu.dma_semaphore, #tpu.memory_space<semaphore_mem>>)
    %dma_wait3A_222 = arith.constant 0 : i32
    %dma_wait3A_223 = arith.constant 0 : i32
    %dma_wait3A_224 = arith.constant 0 : i32
    %dma_wait3A_225 = tpu.memref_slice %arg10[%arg1, %dma_wait3A_222, %dma_wait3A_223, %dma_wait3A_224] : memref<16x2x16x1024xf32, #tpu.memory_space<vmem_shared>> -> memref<1x1x16x1024xf32, #tpu.memory_space<vmem_shared>>
    %dma_wait3A_226 = tpu.memref_squeeze %dma_wait3A_225 : memref<1x1x16x1024xf32, #tpu.memory_space<vmem_shared>> -> memref<16x1024xf32, #tpu.memory_space<vmem_shared>>
    %dma_wait3A_227 = arith.constant 0 : i32
    %dma_wait3A_228 = arith.constant 0 : i32
    %dma_wait3A_229 = tpu.memref_slice %arg10[%arg1, %dma_wait3A_222, %dma_wait3A_227, %dma_wait3A_228] : memref<16x2x16x1024xf32, #tpu.memory_space<vmem_shared>> -> memref<1x1x16x1024xf32, #tpu.memory_space<vmem_shared>>
    %dma_wait3A_230 = tpu.memref_squeeze %dma_wait3A_229 : memref<1x1x16x1024xf32, #tpu.memory_space<vmem_shared>> -> memref<16x1024xf32, #tpu.memory_space<vmem_shared>>
    tpu.wait_dma2 semaphore(%arg15 : memref<!tpu.dma_semaphore, #tpu.memory_space<semaphore_mem>>) src(%arg6 : memref<16x1024xf32, #tpu.memory_space<vmem>>) dst(%dma_wait3A_230 : memref<16x1024xf32, #tpu.memory_space<vmem_shared>>)
    %add3A_231 = arith.constant 960 : i32
    %add3A_232 = arith.addi %mul3A_2, %add3A_231 : i32
    %dma_start3A_233 = arith.constant 0 : i32
    %dma_start3A_234 = arith.constant 0 : i32
    %dma_start3A_235 = tpu.memref_slice %arg4[%add3A_232, %dma_start3A_234] : memref<32768x1024xf32, #tpu.memory_space<hbm>> -> memref<16x1024xf32, #tpu.memory_space<hbm>>
    %dma_start3A_236 = arith.constant 0 : i32
    %dma_start3A_237 = arith.constant 0 : i32
    %dma_start3A_238 = tpu.memref_slice %arg10[%arg1, %dma_start3A_233, %dma_start3A_236, %dma_start3A_237] : memref<16x2x16x1024xf32, #tpu.memory_space<vmem_shared>> -> memref<1x1x16x1024xf32, #tpu.memory_space<vmem_shared>>
    %dma_start3A_239 = tpu.memref_squeeze %dma_start3A_238 : memref<1x1x16x1024xf32, #tpu.memory_space<vmem_shared>> -> memref<16x1024xf32, #tpu.memory_space<vmem_shared>>
    tpu.enqueue_dma source(%dma_start3A_239 : memref<16x1024xf32, #tpu.memory_space<vmem_shared>>) target(%dma_start3A_235 : memref<16x1024xf32, #tpu.memory_space<hbm>>) target_semaphore(%arg19 : memref<!tpu.dma_semaphore, #tpu.memory_space<semaphore_mem>>)
    %dma_wait3A_240 = arith.constant 0 : i32
    %dma_wait3A_241 = tpu.memref_slice %arg5[%dma_wait3A_240] : memref<1024xi32, #tpu.memory_space<vmem>> -> memref<16xi32, #tpu.memory_space<vmem>>
    %dma_wait3A_242 = arith.constant 0 : i32
    %dma_wait3A_243 = arith.constant 0 : i32
    %dma_wait3A_244 = tpu.memref_slice %arg3[%dma_wait3A_242, %dma_wait3A_243] : memref<100000x1024xf32, #tpu.memory_space<hbm>> -> memref<100000x1024xf32, #tpu.memory_space<hbm>>
    tpu.wait_indirect_dma semaphore(%arg12 : memref<!tpu.dma_semaphore, #tpu.memory_space<semaphore_mem>>) src(%dma_wait3A_244 : memref<100000x1024xf32, #tpu.memory_space<hbm>>) dst(%arg7 : memref<16x1024xf32, #tpu.memory_space<vmem>>)
    %add3A_245 = arith.constant 0 : i32
    %add3A_246 = arith.addi %mul3A_2, %add3A_245 : i32
    %dma_wait3A_247 = arith.constant 1 : i32
    %dma_wait3A_248 = arith.constant 0 : i32
    %dma_wait3A_249 = tpu.memref_slice %arg4[%add3A_246, %dma_wait3A_248] : memref<32768x1024xf32, #tpu.memory_space<hbm>> -> memref<16x1024xf32, #tpu.memory_space<hbm>>
    %dma_wait3A_250 = arith.constant 0 : i32
    %dma_wait3A_251 = arith.constant 0 : i32
    %dma_wait3A_252 = tpu.memref_slice %arg10[%arg1, %dma_wait3A_247, %dma_wait3A_250, %dma_wait3A_251] : memref<16x2x16x1024xf32, #tpu.memory_space<vmem_shared>> -> memref<1x1x16x1024xf32, #tpu.memory_space<vmem_shared>>
    %dma_wait3A_253 = tpu.memref_squeeze %dma_wait3A_252 : memref<1x1x16x1024xf32, #tpu.memory_space<vmem_shared>> -> memref<16x1024xf32, #tpu.memory_space<vmem_shared>>
    tpu.wait_dma2 semaphore(%arg20 : memref<!tpu.dma_semaphore, #tpu.memory_space<semaphore_mem>>) src(%dma_wait3A_253 : memref<16x1024xf32, #tpu.memory_space<vmem_shared>>) dst(%dma_wait3A_249 : memref<16x1024xf32, #tpu.memory_space<hbm>>)
    %dma_start3A_254 = arith.constant 1 : i32
    %dma_start3A_255 = arith.constant 0 : i32
    %dma_start3A_256 = arith.constant 0 : i32
    %dma_start3A_257 = tpu.memref_slice %arg10[%arg1, %dma_start3A_254, %dma_start3A_255, %dma_start3A_256] : memref<16x2x16x1024xf32, #tpu.memory_space<vmem_shared>> -> memref<1x1x16x1024xf32, #tpu.memory_space<vmem_shared>>
    %dma_start3A_258 = tpu.memref_squeeze %dma_start3A_257 : memref<1x1x16x1024xf32, #tpu.memory_space<vmem_shared>> -> memref<16x1024xf32, #tpu.memory_space<vmem_shared>>
    %dma_start3A_259 = arith.constant 0 : i32
    %dma_start3A_260 = arith.constant 0 : i32
    %dma_start3A_261 = tpu.memref_slice %arg10[%arg1, %dma_start3A_254, %dma_start3A_259, %dma_start3A_260] : memref<16x2x16x1024xf32, #tpu.memory_space<vmem_shared>> -> memref<1x1x16x1024xf32, #tpu.memory_space<vmem_shared>>
    %dma_start3A_262 = tpu.memref_squeeze %dma_start3A_261 : memref<1x1x16x1024xf32, #tpu.memory_space<vmem_shared>> -> memref<16x1024xf32, #tpu.memory_space<vmem_shared>>
    tpu.enqueue_dma source(%arg7 : memref<16x1024xf32, #tpu.memory_space<vmem>>) target(%dma_start3A_262 : memref<16x1024xf32, #tpu.memory_space<vmem_shared>>) target_semaphore(%arg16 : memref<!tpu.dma_semaphore, #tpu.memory_space<semaphore_mem>>)
    %dma_wait3A_263 = arith.constant 1 : i32
    %dma_wait3A_264 = arith.constant 0 : i32
    %dma_wait3A_265 = arith.constant 0 : i32
    %dma_wait3A_266 = tpu.memref_slice %arg10[%arg1, %dma_wait3A_263, %dma_wait3A_264, %dma_wait3A_265] : memref<16x2x16x1024xf32, #tpu.memory_space<vmem_shared>> -> memref<1x1x16x1024xf32, #tpu.memory_space<vmem_shared>>
    %dma_wait3A_267 = tpu.memref_squeeze %dma_wait3A_266 : memref<1x1x16x1024xf32, #tpu.memory_space<vmem_shared>> -> memref<16x1024xf32, #tpu.memory_space<vmem_shared>>
    %dma_wait3A_268 = arith.constant 0 : i32
    %dma_wait3A_269 = arith.constant 0 : i32
    %dma_wait3A_270 = tpu.memref_slice %arg10[%arg1, %dma_wait3A_263, %dma_wait3A_268, %dma_wait3A_269] : memref<16x2x16x1024xf32, #tpu.memory_space<vmem_shared>> -> memref<1x1x16x1024xf32, #tpu.memory_space<vmem_shared>>
    %dma_wait3A_271 = tpu.memref_squeeze %dma_wait3A_270 : memref<1x1x16x1024xf32, #tpu.memory_space<vmem_shared>> -> memref<16x1024xf32, #tpu.memory_space<vmem_shared>>
    tpu.wait_dma2 semaphore(%arg16 : memref<!tpu.dma_semaphore, #tpu.memory_space<semaphore_mem>>) src(%arg7 : memref<16x1024xf32, #tpu.memory_space<vmem>>) dst(%dma_wait3A_271 : memref<16x1024xf32, #tpu.memory_space<vmem_shared>>)
    %add3A_272 = arith.constant 976 : i32
    %add3A_273 = arith.addi %mul3A_2, %add3A_272 : i32
    %dma_start3A_274 = arith.constant 1 : i32
    %dma_start3A_275 = arith.constant 0 : i32
    %dma_start3A_276 = tpu.memref_slice %arg4[%add3A_273, %dma_start3A_275] : memref<32768x1024xf32, #tpu.memory_space<hbm>> -> memref<16x1024xf32, #tpu.memory_space<hbm>>
    %dma_start3A_277 = arith.constant 0 : i32
    %dma_start3A_278 = arith.constant 0 : i32
    %dma_start3A_279 = tpu.memref_slice %arg10[%arg1, %dma_start3A_274, %dma_start3A_277, %dma_start3A_278] : memref<16x2x16x1024xf32, #tpu.memory_space<vmem_shared>> -> memref<1x1x16x1024xf32, #tpu.memory_space<vmem_shared>>
    %dma_start3A_280 = tpu.memref_squeeze %dma_start3A_279 : memref<1x1x16x1024xf32, #tpu.memory_space<vmem_shared>> -> memref<16x1024xf32, #tpu.memory_space<vmem_shared>>
    tpu.enqueue_dma source(%dma_start3A_280 : memref<16x1024xf32, #tpu.memory_space<vmem_shared>>) target(%dma_start3A_276 : memref<16x1024xf32, #tpu.memory_space<hbm>>) target_semaphore(%arg20 : memref<!tpu.dma_semaphore, #tpu.memory_space<semaphore_mem>>)
    %dma_wait3A_281 = arith.constant 0 : i32
    %dma_wait3A_282 = tpu.memref_slice %arg5[%dma_wait3A_281] : memref<1024xi32, #tpu.memory_space<vmem>> -> memref<16xi32, #tpu.memory_space<vmem>>
    %dma_wait3A_283 = arith.constant 0 : i32
    %dma_wait3A_284 = arith.constant 0 : i32
    %dma_wait3A_285 = tpu.memref_slice %arg3[%dma_wait3A_283, %dma_wait3A_284] : memref<100000x1024xf32, #tpu.memory_space<hbm>> -> memref<100000x1024xf32, #tpu.memory_space<hbm>>
    tpu.wait_indirect_dma semaphore(%arg13 : memref<!tpu.dma_semaphore, #tpu.memory_space<semaphore_mem>>) src(%dma_wait3A_285 : memref<100000x1024xf32, #tpu.memory_space<hbm>>) dst(%arg8 : memref<16x1024xf32, #tpu.memory_space<vmem>>)
    %add3A_286 = arith.constant 0 : i32
    %add3A_287 = arith.addi %mul3A_2, %add3A_286 : i32
    %dma_wait3A_288 = arith.constant 0 : i32
    %dma_wait3A_289 = arith.constant 0 : i32
    %dma_wait3A_290 = tpu.memref_slice %arg4[%add3A_287, %dma_wait3A_289] : memref<32768x1024xf32, #tpu.memory_space<hbm>> -> memref<16x1024xf32, #tpu.memory_space<hbm>>
    %dma_wait3A_291 = arith.constant 0 : i32
    %dma_wait3A_292 = arith.constant 0 : i32
    %dma_wait3A_293 = tpu.memref_slice %arg10[%arg1, %dma_wait3A_288, %dma_wait3A_291, %dma_wait3A_292] : memref<16x2x16x1024xf32, #tpu.memory_space<vmem_shared>> -> memref<1x1x16x1024xf32, #tpu.memory_space<vmem_shared>>
    %dma_wait3A_294 = tpu.memref_squeeze %dma_wait3A_293 : memref<1x1x16x1024xf32, #tpu.memory_space<vmem_shared>> -> memref<16x1024xf32, #tpu.memory_space<vmem_shared>>
    tpu.wait_dma2 semaphore(%arg19 : memref<!tpu.dma_semaphore, #tpu.memory_space<semaphore_mem>>) src(%dma_wait3A_294 : memref<16x1024xf32, #tpu.memory_space<vmem_shared>>) dst(%dma_wait3A_290 : memref<16x1024xf32, #tpu.memory_space<hbm>>)
    %dma_start3A_295 = arith.constant 0 : i32
    %dma_start3A_296 = arith.constant 0 : i32
    %dma_start3A_297 = arith.constant 0 : i32
    %dma_start3A_298 = tpu.memref_slice %arg10[%arg1, %dma_start3A_295, %dma_start3A_296, %dma_start3A_297] : memref<16x2x16x1024xf32, #tpu.memory_space<vmem_shared>> -> memref<1x1x16x1024xf32, #tpu.memory_space<vmem_shared>>
    %dma_start3A_299 = tpu.memref_squeeze %dma_start3A_298 : memref<1x1x16x1024xf32, #tpu.memory_space<vmem_shared>> -> memref<16x1024xf32, #tpu.memory_space<vmem_shared>>
    %dma_start3A_300 = arith.constant 0 : i32
    %dma_start3A_301 = arith.constant 0 : i32
    %dma_start3A_302 = tpu.memref_slice %arg10[%arg1, %dma_start3A_295, %dma_start3A_300, %dma_start3A_301] : memref<16x2x16x1024xf32, #tpu.memory_space<vmem_shared>> -> memref<1x1x16x1024xf32, #tpu.memory_space<vmem_shared>>
    %dma_start3A_303 = tpu.memref_squeeze %dma_start3A_302 : memref<1x1x16x1024xf32, #tpu.memory_space<vmem_shared>> -> memref<16x1024xf32, #tpu.memory_space<vmem_shared>>
    tpu.enqueue_dma source(%arg8 : memref<16x1024xf32, #tpu.memory_space<vmem>>) target(%dma_start3A_303 : memref<16x1024xf32, #tpu.memory_space<vmem_shared>>) target_semaphore(%arg17 : memref<!tpu.dma_semaphore, #tpu.memory_space<semaphore_mem>>)
    %dma_wait3A_304 = arith.constant 0 : i32
    %dma_wait3A_305 = arith.constant 0 : i32
    %dma_wait3A_306 = arith.constant 0 : i32
    %dma_wait3A_307 = tpu.memref_slice %arg10[%arg1, %dma_wait3A_304, %dma_wait3A_305, %dma_wait3A_306] : memref<16x2x16x1024xf32, #tpu.memory_space<vmem_shared>> -> memref<1x1x16x1024xf32, #tpu.memory_space<vmem_shared>>
    %dma_wait3A_308 = tpu.memref_squeeze %dma_wait3A_307 : memref<1x1x16x1024xf32, #tpu.memory_space<vmem_shared>> -> memref<16x1024xf32, #tpu.memory_space<vmem_shared>>
    %dma_wait3A_309 = arith.constant 0 : i32
    %dma_wait3A_310 = arith.constant 0 : i32
    %dma_wait3A_311 = tpu.memref_slice %arg10[%arg1, %dma_wait3A_304, %dma_wait3A_309, %dma_wait3A_310] : memref<16x2x16x1024xf32, #tpu.memory_space<vmem_shared>> -> memref<1x1x16x1024xf32, #tpu.memory_space<vmem_shared>>
    %dma_wait3A_312 = tpu.memref_squeeze %dma_wait3A_311 : memref<1x1x16x1024xf32, #tpu.memory_space<vmem_shared>> -> memref<16x1024xf32, #tpu.memory_space<vmem_shared>>
    tpu.wait_dma2 semaphore(%arg17 : memref<!tpu.dma_semaphore, #tpu.memory_space<semaphore_mem>>) src(%arg8 : memref<16x1024xf32, #tpu.memory_space<vmem>>) dst(%dma_wait3A_312 : memref<16x1024xf32, #tpu.memory_space<vmem_shared>>)
    %add3A_313 = arith.constant 992 : i32
    %add3A_314 = arith.addi %mul3A_2, %add3A_313 : i32
    %dma_start3A_315 = arith.constant 0 : i32
    %dma_start3A_316 = arith.constant 0 : i32
    %dma_start3A_317 = tpu.memref_slice %arg4[%add3A_314, %dma_start3A_316] : memref<32768x1024xf32, #tpu.memory_space<hbm>> -> memref<16x1024xf32, #tpu.memory_space<hbm>>
    %dma_start3A_318 = arith.constant 0 : i32
    %dma_start3A_319 = arith.constant 0 : i32
    %dma_start3A_320 = tpu.memref_slice %arg10[%arg1, %dma_start3A_315, %dma_start3A_318, %dma_start3A_319] : memref<16x2x16x1024xf32, #tpu.memory_space<vmem_shared>> -> memref<1x1x16x1024xf32, #tpu.memory_space<vmem_shared>>
    %dma_start3A_321 = tpu.memref_squeeze %dma_start3A_320 : memref<1x1x16x1024xf32, #tpu.memory_space<vmem_shared>> -> memref<16x1024xf32, #tpu.memory_space<vmem_shared>>
    tpu.enqueue_dma source(%dma_start3A_321 : memref<16x1024xf32, #tpu.memory_space<vmem_shared>>) target(%dma_start3A_317 : memref<16x1024xf32, #tpu.memory_space<hbm>>) target_semaphore(%arg19 : memref<!tpu.dma_semaphore, #tpu.memory_space<semaphore_mem>>)
    %dma_wait3A_322 = arith.constant 0 : i32
    %dma_wait3A_323 = tpu.memref_slice %arg5[%dma_wait3A_322] : memref<1024xi32, #tpu.memory_space<vmem>> -> memref<16xi32, #tpu.memory_space<vmem>>
    %dma_wait3A_324 = arith.constant 0 : i32
    %dma_wait3A_325 = arith.constant 0 : i32
    %dma_wait3A_326 = tpu.memref_slice %arg3[%dma_wait3A_324, %dma_wait3A_325] : memref<100000x1024xf32, #tpu.memory_space<hbm>> -> memref<100000x1024xf32, #tpu.memory_space<hbm>>
    tpu.wait_indirect_dma semaphore(%arg14 : memref<!tpu.dma_semaphore, #tpu.memory_space<semaphore_mem>>) src(%dma_wait3A_326 : memref<100000x1024xf32, #tpu.memory_space<hbm>>) dst(%arg9 : memref<16x1024xf32, #tpu.memory_space<vmem>>)
    %add3A_327 = arith.constant 0 : i32
    %add3A_328 = arith.addi %mul3A_2, %add3A_327 : i32
    %dma_wait3A_329 = arith.constant 1 : i32
    %dma_wait3A_330 = arith.constant 0 : i32
    %dma_wait3A_331 = tpu.memref_slice %arg4[%add3A_328, %dma_wait3A_330] : memref<32768x1024xf32, #tpu.memory_space<hbm>> -> memref<16x1024xf32, #tpu.memory_space<hbm>>
    %dma_wait3A_332 = arith.constant 0 : i32
    %dma_wait3A_333 = arith.constant 0 : i32
    %dma_wait3A_334 = tpu.memref_slice %arg10[%arg1, %dma_wait3A_329, %dma_wait3A_332, %dma_wait3A_333] : memref<16x2x16x1024xf32, #tpu.memory_space<vmem_shared>> -> memref<1x1x16x1024xf32, #tpu.memory_space<vmem_shared>>
    %dma_wait3A_335 = tpu.memref_squeeze %dma_wait3A_334 : memref<1x1x16x1024xf32, #tpu.memory_space<vmem_shared>> -> memref<16x1024xf32, #tpu.memory_space<vmem_shared>>
    tpu.wait_dma2 semaphore(%arg20 : memref<!tpu.dma_semaphore, #tpu.memory_space<semaphore_mem>>) src(%dma_wait3A_335 : memref<16x1024xf32, #tpu.memory_space<vmem_shared>>) dst(%dma_wait3A_331 : memref<16x1024xf32, #tpu.memory_space<hbm>>)
    %dma_start3A_336 = arith.constant 1 : i32
    %dma_start3A_337 = arith.constant 0 : i32
    %dma_start3A_338 = arith.constant 0 : i32
    %dma_start3A_339 = tpu.memref_slice %arg10[%arg1, %dma_start3A_336, %dma_start3A_337, %dma_start3A_338] : memref<16x2x16x1024xf32, #tpu.memory_space<vmem_shared>> -> memref<1x1x16x1024xf32, #tpu.memory_space<vmem_shared>>
    %dma_start3A_340 = tpu.memref_squeeze %dma_start3A_339 : memref<1x1x16x1024xf32, #tpu.memory_space<vmem_shared>> -> memref<16x1024xf32, #tpu.memory_space<vmem_shared>>
    %dma_start3A_341 = arith.constant 0 : i32
    %dma_start3A_342 = arith.constant 0 : i32
    %dma_start3A_343 = tpu.memref_slice %arg10[%arg1, %dma_start3A_336, %dma_start3A_341, %dma_start3A_342] : memref<16x2x16x1024xf32, #tpu.memory_space<vmem_shared>> -> memref<1x1x16x1024xf32, #tpu.memory_space<vmem_shared>>
    %dma_start3A_344 = tpu.memref_squeeze %dma_start3A_343 : memref<1x1x16x1024xf32, #tpu.memory_space<vmem_shared>> -> memref<16x1024xf32, #tpu.memory_space<vmem_shared>>
    tpu.enqueue_dma source(%arg9 : memref<16x1024xf32, #tpu.memory_space<vmem>>) target(%dma_start3A_344 : memref<16x1024xf32, #tpu.memory_space<vmem_shared>>) target_semaphore(%arg18 : memref<!tpu.dma_semaphore, #tpu.memory_space<semaphore_mem>>)
    %dma_wait3A_345 = arith.constant 1 : i32
    %dma_wait3A_346 = arith.constant 0 : i32
    %dma_wait3A_347 = arith.constant 0 : i32
    %dma_wait3A_348 = tpu.memref_slice %arg10[%arg1, %dma_wait3A_345, %dma_wait3A_346, %dma_wait3A_347] : memref<16x2x16x1024xf32, #tpu.memory_space<vmem_shared>> -> memref<1x1x16x1024xf32, #tpu.memory_space<vmem_shared>>
    %dma_wait3A_349 = tpu.memref_squeeze %dma_wait3A_348 : memref<1x1x16x1024xf32, #tpu.memory_space<vmem_shared>> -> memref<16x1024xf32, #tpu.memory_space<vmem_shared>>
    %dma_wait3A_350 = arith.constant 0 : i32
    %dma_wait3A_351 = arith.constant 0 : i32
    %dma_wait3A_352 = tpu.memref_slice %arg10[%arg1, %dma_wait3A_345, %dma_wait3A_350, %dma_wait3A_351] : memref<16x2x16x1024xf32, #tpu.memory_space<vmem_shared>> -> memref<1x1x16x1024xf32, #tpu.memory_space<vmem_shared>>
    %dma_wait3A_353 = tpu.memref_squeeze %dma_wait3A_352 : memref<1x1x16x1024xf32, #tpu.memory_space<vmem_shared>> -> memref<16x1024xf32, #tpu.memory_space<vmem_shared>>
    tpu.wait_dma2 semaphore(%arg18 : memref<!tpu.dma_semaphore, #tpu.memory_space<semaphore_mem>>) src(%arg9 : memref<16x1024xf32, #tpu.memory_space<vmem>>) dst(%dma_wait3A_353 : memref<16x1024xf32, #tpu.memory_space<vmem_shared>>)
    %add3A_354 = arith.constant 1008 : i32
    %add3A_355 = arith.addi %mul3A_2, %add3A_354 : i32
    %dma_start3A_356 = arith.constant 1 : i32
    %dma_start3A_357 = arith.constant 0 : i32
    %dma_start3A_358 = tpu.memref_slice %arg4[%add3A_355, %dma_start3A_357] : memref<32768x1024xf32, #tpu.memory_space<hbm>> -> memref<16x1024xf32, #tpu.memory_space<hbm>>
    %dma_start3A_359 = arith.constant 0 : i32
    %dma_start3A_360 = arith.constant 0 : i32
    %dma_start3A_361 = tpu.memref_slice %arg10[%arg1, %dma_start3A_356, %dma_start3A_359, %dma_start3A_360] : memref<16x2x16x1024xf32, #tpu.memory_space<vmem_shared>> -> memref<1x1x16x1024xf32, #tpu.memory_space<vmem_shared>>
    %dma_start3A_362 = tpu.memref_squeeze %dma_start3A_361 : memref<1x1x16x1024xf32, #tpu.memory_space<vmem_shared>> -> memref<16x1024xf32, #tpu.memory_space<vmem_shared>>
    tpu.enqueue_dma source(%dma_start3A_362 : memref<16x1024xf32, #tpu.memory_space<vmem_shared>>) target(%dma_start3A_358 : memref<16x1024xf32, #tpu.memory_space<hbm>>) target_semaphore(%arg20 : memref<!tpu.dma_semaphore, #tpu.memory_space<semaphore_mem>>)
    %add3A_363 = arith.constant 0 : i32
    %add3A_364 = arith.addi %mul3A_2, %add3A_363 : i32
    %dma_wait3A_365 = arith.constant 0 : i32
    %dma_wait3A_366 = arith.constant 0 : i32
    %dma_wait3A_367 = tpu.memref_slice %arg4[%add3A_364, %dma_wait3A_366] : memref<32768x1024xf32, #tpu.memory_space<hbm>> -> memref<16x1024xf32, #tpu.memory_space<hbm>>
    %dma_wait3A_368 = arith.constant 0 : i32
    %dma_wait3A_369 = arith.constant 0 : i32
    %dma_wait3A_370 = tpu.memref_slice %arg10[%arg1, %dma_wait3A_365, %dma_wait3A_368, %dma_wait3A_369] : memref<16x2x16x1024xf32, #tpu.memory_space<vmem_shared>> -> memref<1x1x16x1024xf32, #tpu.memory_space<vmem_shared>>
    %dma_wait3A_371 = tpu.memref_squeeze %dma_wait3A_370 : memref<1x1x16x1024xf32, #tpu.memory_space<vmem_shared>> -> memref<16x1024xf32, #tpu.memory_space<vmem_shared>>
    tpu.wait_dma2 semaphore(%arg19 : memref<!tpu.dma_semaphore, #tpu.memory_space<semaphore_mem>>) src(%dma_wait3A_371 : memref<16x1024xf32, #tpu.memory_space<vmem_shared>>) dst(%dma_wait3A_367 : memref<16x1024xf32, #tpu.memory_space<hbm>>)
    %add3A_372 = arith.constant 0 : i32
    %add3A_373 = arith.addi %mul3A_2, %add3A_372 : i32
    %dma_wait3A_374 = arith.constant 1 : i32
    %dma_wait3A_375 = arith.constant 0 : i32
    %dma_wait3A_376 = tpu.memref_slice %arg4[%add3A_373, %dma_wait3A_375] : memref<32768x1024xf32, #tpu.memory_space<hbm>> -> memref<16x1024xf32, #tpu.memory_space<hbm>>
    %dma_wait3A_377 = arith.constant 0 : i32
    %dma_wait3A_378 = arith.constant 0 : i32
    %dma_wait3A_379 = tpu.memref_slice %arg10[%arg1, %dma_wait3A_374, %dma_wait3A_377, %dma_wait3A_378] : memref<16x2x16x1024xf32, #tpu.memory_space<vmem_shared>> -> memref<1x1x16x1024xf32, #tpu.memory_space<vmem_shared>>
    %dma_wait3A_380 = tpu.memref_squeeze %dma_wait3A_379 : memref<1x1x16x1024xf32, #tpu.memory_space<vmem_shared>> -> memref<16x1024xf32, #tpu.memory_space<vmem_shared>>
    tpu.wait_dma2 semaphore(%arg20 : memref<!tpu.dma_semaphore, #tpu.memory_space<semaphore_mem>>) src(%dma_wait3A_380 : memref<16x1024xf32, #tpu.memory_space<vmem_shared>>) dst(%dma_wait3A_376 : memref<16x1024xf32, #tpu.memory_space<hbm>>)
    return
  }
}

</mosaic_0001>

<sc_bundles>
// kernel: kernel.3.cloned.1.call-start
scs
__scs_entry_jumppad:
0x0: {  	(pc) =	sbr.rel $0x88, $3  }
0x1: {  	(tag) =	ssettag $0x0;
	lr =	simm.s32 $0x1  }
0x2: {  	[smem:$0x3F9F] =	sst lr;
	_ =	strace $0xD0000000  }
0x3: {  	_ = 	snop  }
0x4: {  	_ = 	snop  }
0x5: {  	_ = 	snop  }
0x6: {  	_ = 	snop  }
0x7: {  	_ = 	snop  }
__scs_overlays_trampoline_lowered:
0x8: {  	[smem:$0x3FAE] =	sst s0  }
0x9: {  	[smem:$0x3FAF] =	sst s1  }
0xa: {  	[smem:$0x3FB0] =	sst s2  }
0xb: {  	[smem:$0x3FB1] =	sst s3  }
0xc: {  	[smem:$0x3FB2] =	sst s4  }
0xd: {  	[smem:$0x3FB3] =	sst s5  }
0xe: {  	[smem:$0x3FB4] =	sst s6  }
0xf: {  	[smem:$0x3FB5] =	sst s7  }
0x10: {  	[smem:$0x3FB6] =	sst s8  }
0x11: {  	[smem:$0x3FB7] =	sst s9;
	s0 =	simm.s32 @!p0 $0x0  }
0x12: {  	s1 =	sld [smem:$0x3F9D];
	s0 =	simm.s32 @p0 $0x1  }
0x13: {  	[smem:$0x3FB8] =	sst s0;
	s0 =	simm.s32 @!p1 $0x0  }
0x14: {  	s2 =	sld [smem:$0x3F9C];
	s0 =	simm.s32 @p1 $0x1  }
0x15: {  	[smem:$0x3FB9] =	sst s0;
	s0 =	simm.s32 @!p2 $0x0  }
0x16: {  	s3 =	sld [smem:$0x3FDB];
	s0 =	simm.s32 @p2 $0x1  }
0x17: {  	s4 =	simm.s32 $0x1BF5;
	[smem:$0x3FBB] =	sst s0  }
0x18: {  	s0 =	sld [smem:$0x3F9E];
	_ =	swait.ge [sflag:s4], $0x0  }
0x19: {  	s7 =	sld [smem:$0x3F9F]  }
0x1a: {  	s8 =	sadd.s32 $0xFFFFE003, lr  }
0x1b: {  	s9 =	sadd.s32 $0xFFFFFEF7, lr;
	s5 =	simm.s32 $0xFFFFFFFF;
	p2 =	slt.u32 s8, $0xFFFFF086  }
0x1c: {  	p1 =	slt.u32 s9, $0xF7A;
	s5 =	simm.s32 @!p2 $0x0  }
0x1d: {  	s5 =	simm.s32 @p1 $0x1;
	p0 =	seq.s32 s7, s2  }
0x1e: {  	s7 =	smul.u32 @!p0 $0xF7A, s2;
	p2 =	seq.s32 @!p0 s5, $0x0  }
0x1f: {  	s9 =	smul.u32 $0xF7A, s1;
	s8 =	simm.s32 @!p0 $0x1BF5;
	p2 =	por !p2, p0  }
0x20: {  	[sflag:s8] =	ssyncset.s32 @!p0 $0xFFFFF086;
	s6 =	sadd.s32 @!p0 s3, s7;
	s7 =	simm.s32 @!p0 $0x108  }
0x21: {  	s3 =	sadd.s32 s3, s9;
	s6 =	sadd.s32 @!p0 $0x88, s6;
	s7 =	simm.s32 @p2 $0x1082  }
0x22: {  	[simem:s7], [sflag:s8] =	dma.local @!p0 [hbm:s6], $0xF7A  }
0x23: {  	s9 =	sor.u32 $0xD0000000, s2;
	s6 =	simm.s32 $0x108;
	_ =	swait.ge @!p0 [sflag:s8], $0x0  }
0x24: {  	s3 =	sadd.s32 $0x88, s3;
	s6 =	simm.s32 @!p1 $0x1082;
	[sflag:s4] =	ssyncset.s32 $0xFFFFF086  }
0x25: {  	[simem:s6], [sflag:s4] =	dma.local [hbm:s3], $0xF7A  }
0x26: {  	[smem:$0x3F9F] =	sst s1;
	(tag) =	ssettag s2;
	_ =	strace s9  }
0x27: {  	s1 =	sld [smem:$0x3FAF]  }
0x28: {  	s2 =	sld [smem:$0x3FB0]  }
0x29: {  	s4 =	sld [smem:$0x3FB2]  }
0x2a: {  	p0 =	seq.s32 s5, $0x0;
	s5 =	sld [smem:$0x3FB3]  }
0x2b: {  	s6 =	sld [smem:$0x3FB4]  }
0x2c: {  	s7 =	sld [smem:$0x3FB5]  }
0x2d: {  	s3 =	simm.s32 $0x108;
	s8 =	sld [smem:$0x3FB6]  }
0x2e: {  	s3 =	simm.s32 @!p0 $0x1082;
	s9 =	sld [smem:$0x3FB7]  }
0x2f: {  	lr =	sadd.s32 s0, s3;
	s0 =	sld [smem:$0x3FAE]  }
0x30: {  	s3 =	sld [smem:$0x3FB1]  }
0x31: {  	[smem:$0x3FBA] =	sst s10  }
0x32: {  	s10 =	sld [smem:$0x3FB8];
	_ =	sdelay $0x3  }
0x33: {  	p0 =	seq.s32 s10, $0x1;
	s10 =	sld [smem:$0x3FBA];
	_ =	sdelay $0x3  }
0x34: {  	[smem:$0x3FBA] =	sst s10  }
0x35: {  	s10 =	sld [smem:$0x3FB9];
	_ =	sdelay $0x3  }
0x36: {  	p1 =	seq.s32 s10, $0x1;
	s10 =	sld [smem:$0x3FBA];
	_ =	sdelay $0x3  }
0x37: {  	[smem:$0x3FBA] =	sst s10  }
0x38: {  	s10 =	sld [smem:$0x3FBB]  }
0x39: {  	_ = 	snop;
	(pc) =	sbr.ind lr, $3  }
0x3a: {  	_ = 	snop  }
0x3b: {  	_ = 	snop  }
0x3c: {  	p2 =	seq.s32 s10, $0x1;
	s10 =	sld [smem:$0x3FBA]  }
0x3d: {  	_ =	shalt  }
0x3e: {  	_ =	shalt  }
0x3f: {  	_ =	shalt  }
0x40: {  	_ =	shalt  }
0x41: {  	_ =	shalt  }
0x42: {  	_ =	shalt  }
0x43: {  	_ =	shalt  }
0x44: {  	_ =	shalt  }
0x45: {  	_ =	shalt  }
0x46: {  	_ =	shalt  }
0x47: {  	_ =	shalt  }
0x48: {  	_ =	shalt  }
0x49: {  	_ =	shalt  }
0x4a: {  	_ =	shalt  }
0x4b: {  	_ =	shalt  }
0x4c: {  	_ =	shalt  }
0x4d: {  	_ =	shalt  }
0x4e: {  	_ =	shalt  }
0x4f: {  	_ =	shalt  }
0x50: {  	_ =	shalt  }
0x51: {  	_ =	shalt  }
0x52: {  	_ =	shalt  }
0x53: {  	_ =	shalt  }
0x54: {  	_ =	shalt  }
0x55: {  	_ =	shalt  }
0x56: {  	_ =	shalt  }
0x57: {  	_ =	shalt  }
0x58: {  	_ =	shalt  }
0x59: {  	_ =	shalt  }
0x5a: {  	_ =	shalt  }
0x5b: {  	_ =	shalt  }
0x5c: {  	_ =	shalt  }
0x5d: {  	_ =	shalt  }
0x5e: {  	_ =	shalt  }
0x5f: {  	_ =	shalt  }
0x60: {  	_ =	shalt  }
0x61: {  	_ =	shalt  }
0x62: {  	_ =	shalt  }
0x63: {  	_ =	shalt  }
0x64: {  	_ =	shalt  }
0x65: {  	_ =	shalt  }
0x66: {  	_ =	shalt  }
0x67: {  	_ =	shalt  }
0x68: {  	_ =	shalt  }
0x69: {  	_ =	shalt  }
0x6a: {  	_ =	shalt  }
0x6b: {  	_ =	shalt  }
0x6c: {  	_ =	shalt  }
0x6d: {  	_ =	shalt  }
0x6e: {  	_ =	shalt  }
0x6f: {  	_ =	shalt  }
0x70: {  	_ =	shalt  }
0x71: {  	_ =	shalt  }
0x72: {  	_ =	shalt  }
0x73: {  	_ =	shalt  }
0x74: {  	_ =	shalt  }
0x75: {  	_ =	shalt  }
0x76: {  	_ =	shalt  }
0x77: {  	_ =	shalt  }
0x78: {  	_ =	shalt  }
0x79: {  	_ =	shalt  }
0x7a: {  	_ =	shalt  }
0x7b: {  	_ =	shalt  }
0x7c: {  	_ =	shalt  }
0x7d: {  	_ =	shalt  }
0x7e: {  	_ =	shalt  }
0x7f: {  	_ =	shalt  }
0x80: {  	_ =	shalt  }
0x81: {  	_ =	shalt  }
0x82: {  	_ =	shalt  }
0x83: {  	_ =	shalt  }
0x84: {  	_ =	shalt  }
0x85: {  	_ =	shalt  }
0x86: {  	_ =	shalt  }
0x87: {  	_ =	shalt  }
.Lfunc_end0:
.L_simem_size_0:
called_computation_lowered:
.L_overlay_start_0:
0x88: {  	s2 =	sld [smem:$0x3FD9]  }
0x89: {  	s3 =	sld [smem:$0x3FFE];
	_ =	sdelay $0x1  }
0x8a: {  	s1 =	srdreg.scid  }
0x8b: {  	s0 =	sand.u32 $0x1, s1  }
0x8c: {  	s17 =	sshll.u32 s0, $0xA;
	s2 =	sadd.s32 s3, s2  }
0x8d: {  	s2 =	sadd.s32 s2, s17  }
0x8e: {  	[smem:$0x3FC6] =	sst s2  }
0x8f: {  	_ = 	snop  }
0x90: {  	s2 =	sld [smem:$0x3FC8]  }
0x91: {  	s18 =	sld [smem:$0x3FD0];
	(tm) =	ssettm $0x1  }
0x92: {  	s4 =	sld [smem:$0x3FFB];
	_ =	sdelay $0x3  }
0x93: {  	_ =	strace s4  }
0x94: {  	s4 =	sld [smem:$0x3FFC];
	_ =	sdelay $0x3  }
0x95: {  	_ =	strace s4  }
0x96: {  	s4 =	sld [smem:$0x3FFD];
	_ =	sdelay $0x3  }
0x97: {  	_ =	strace s4  }
0x98: {  	_ =	strace $0x8FFFFFFF  }
0x99: {  	s19 =	sld [smem:$0x3FDB];
	_ =	sdelay $0x1  }
0x9a: {  	s5 =	simm.s32 $_scs_section_size  }
0x9b: {  	s6 =	simm.s32 $_size__tile_overlayer_lowered;
	s7 =	simm.s32 $_tile_overlayer_lowered  }
0x9c: {  	s22 =	simm.s32 $0x1BFF;
	s21 =	sshll.u32 s7, $0x1;
	s4 =	sadd.s32 s5, s19  }
0x9d: {  	s8 =	simm.s32 $0x0;
	s20 =	sshll.u32 s6, $0x1;
	s6 =	sadd.s32 s21, s4  }
0x9e: {  	[timem:s8], [sflag:s22] =	dma.local [hbm:s6], s20  }
0x9f: {  	_ =	swait.ge [sflag:s22], s20  }
0xa0: {  	s5 =	ssub.s32 $0x0, s20;
	[sflag:s22] =	ssyncset.done $0x0  }
0xa1: {  	[sflag:s22] =	ssyncadd.s32 s5;
	_ =	sdelay $0x1  }
0xa2: {  	s23 =	simm.s32 $0x1B8B  }
0xa3: {  	_ =	swait.ge [sflag:s23], $0x1  }
0xa4: {  	[sflag:s23] =	ssyncset.done $0x0  }
0xa5: {  	s25 =	simm.s32 $0x1B8E;
	s24 =	sld [smem:$0x3FFE];
	[sflag:s23] =	ssyncadd.s32 $0xFFFFFFFF  }
0xa6: {  	s26 =	simm.s32 $execute0_lowered;
	[smem:$0x3FD2] =	sst s25  }
0xa7: {  	s6 =	sshll.u32 s26, $0x1;
	_ =	strace $0x80000046;
	[dreg:$0x1] =	wrdreg $0xFFFFFFFF  }
0xa8: {  	s28 =	simm.s32 $_size_execute0_lowered;
	s4 =	sadd.s32 s4, s6;
	[dreg:$0x0] =	wrdreg $0x0  }
0xa9: {  	s6 =	sshll.u32 s28, $0x1;
	[dreg:$0x2] =	wrdreg s4  }
0xaa: {  	[dreg:$0x3] =	wrdreg s6  }
0xab: {  	[dreg:$0x4] =	wrdreg $0xC0  }
0xac: {  	_ =	task [dreg:s8], $0x5FFFF  }
0xad: {  	[dreg:$0x1] =	wrdreg $0xFFFFFFFF  }
0xae: {  	[dreg:$0x0] =	wrdreg $0x60  }
0xaf: {  	[dreg:$0x2] =	wrdreg s24  }
0xb0: {  	[dreg:$0x3] =	wrdreg s2  }
0xb1: {  	[dreg:$0x4] =	wrdreg s18  }
0xb2: {  	[dreg:$0x5] =	wrdreg $0x104000  }
0xb3: {  	[dreg:$0x6] =	wrdreg $0x9  }
0xb4: {  	_ =	task.clear_ibuf [dreg:s8], $0x7FFFF;
	_ =	strace $0x90000046  }
0xb5: {  	s29 =	simm.s32 $0x9;
	_ =	strace $0x80000048  }
0xb6: {  	_ =	swait.ge [sflag:s29], $0x1  }
0xb7: {  	[sflag:s29] =	ssyncadd.s32 $0xFFFFFFFF  }
0xb8: {  	_ =	strace $0x90000048  }
0xb9: {  	_ =	sfence  }
0xba: {  	s30 =	sld [smem:$0x0];
	_ =	sdelay $0x2  }
0xbb: {  	s31 =	sshll.u32 s1, $0xD;
	s1 =	sshrl.u32 s1, $0x2  }
0xbc: {  	s3 =	sand.u32 $0x4000, s31;
	s1 =	sadd.s32 s1, s30  }
0xbd: {  	s0 =	sor.u32 s3, s0;
	s1 =	sshll.u32 s1, $0x11  }
0xbe: {  	s0 =	sor.u32 s1, s0  }
0xbf: {  	s0 =	sadd.s32 $0x8F2B, s0  }
0xc0: {  	[sflag:s0] =	ssyncadd.remote.s32 $0x1  }
0xc1: {  	_ =	sfence.sel $0xFFFF  }
0xc2: {  	[dreg:$0x0] =	wrdreg $0xFFFFFFFF;
	(pc) =	sbr.abs _section_cstart, $3  }
0xc3: {  	[dreg:$0x1] =	wrdreg $0xFFFFFFFF  }
0xc4: {  	_ =	task.clear_ibuf [dreg:s8], $0x2FFFF;
	_ =	strace $0x9FFFFFFF  }
0xc5: {  	(tm) =	ssettm $0x7FFFFFFF  }
tec
execute0_lowered:
.L_overlay_start_1:
0x0: {  	(tag) =	ssettag $0x1  }
0x1: {  	s0 =	rddreg [dreg:$0x0]  }
0x2: {  	s2 =	rddreg [dreg:$0x1]  }
0x3: {  	s1 =	rddreg [dreg:$0x2];
	s3 =	srdreg.scid  }
0x4: {  	s4 =	rddreg [dreg:$0x3];
	s12 =	stileid.u32;
	s28 =	simm.s32 $0xC00  }
0x5: {  	s13 =	simm.s32 $0x2C00;
	s29 =	simm.s32 $0x3400;
	s31 =	simm.s32 $0x8400  }
0x6: {  	s14 =	simm.s32 $0x7;
	s15 =	simm.s32 $0x4;
	s9 =	sand.u32 $0x1, s3  }
0x7: {  	s5 =	sshll.u32 s12, $0xB;
	s3 =	simm.s32 $0x0;
	s17 =	sshll.u32 s12, $0xF  }
0x8: {  	s24 =	sshll.u32 s12, $0x12;
	s12 =	simm.s32 $0x9;
	s6 =	sshll.u32 s9, $0xA  }
0x9: {  	s16 =	ssub.s32 $0x2, s9;
	[smem:$0x7FF] =	sst s3;
	s26 =	sshll.u32 s9, $0x11  }
0xa: {  	s8 =	sor.u32 s6, s5;
	s7 =	sshrl.u32 s16, $0x1;
	_ =	strace $0x80000047  }
0xb: {  	s5 =	sadd.s32 $0x100, s2;
	s6 =	sshrl.u32 s8, $0x3;
	s18 =	sshll.u32 s8, $0x7  }
0xc: {  	s11 =	ssub.s32 s16, s7;
	s7 =	sadd.s32 s17, s4;
	s19 =	sadd.s32 s1, s18  }
0xd: {  	s0 =	sadd.s32 s6, s0;
	s30 =	smax.u32 s11, $0x1;
	[dreg:$0x7] =	wrdreg s19  }
0xe: {  	s8 =	sadd.s32 $0x300, s2;
	s0 =	sadd.s32 $0x400, s0;
	[dreg:$0xf] =	wrdreg s30  }
0xf: {  	s16 =	simm.s32 $0xA;
	s20 =	sadd.s32 $0x1D000, s19;
	[dreg:$0x6] =	wrdreg s0  }
0x10: {  	s17 =	simm.s32 $0x8;
	s21 =	sadd.s32 $0x1D800, s19;
	[dreg:$0x9] =	wrdreg s20  }
0x11: {  	s6 =	sadd.s32 $0x200, s2;
	s22 =	sadd.s32 $0x1E000, s19;
	[dreg:$0xa] =	wrdreg s21  }
0x12: {  	s10 =	sadd.s32 $0x4000, s7;
	s23 =	sadd.s32 $0x1E800, s19;
	[dreg:$0xb] =	wrdreg s22  }
0x13: {  	s18 =	simm.s32 $0xC400;
	s25 =	sadd.s32 $0x1F000, s19;
	[dreg:$0xc] =	wrdreg s23  }
0x14: {  	s11 =	simm.s32 $0x3;
	s4 =	sadd.s32 $0x1F800, s19;
	[dreg:$0xd] =	wrdreg s25  }
0x15: {  	s0 =	sadd.s32 $0x800, s19;
	[dreg:$0xe] =	wrdreg s4;
	s25 =	simm.s32 $0x1C00  }
0x16: {  	s22 =	simm.s32 $0x3C00;
	s21 =	simm.s32 $0x1;
	s4 =	simm.s32 $0x6  }
0x17: {  	v2 =	vlaneseq.u32;
	s19 =	simm.s32 $0x0;
	[dreg:$0x8] =	wrdreg s0;
	s0 =	sadd.s32 s24, s1  }
0x18: {  	vm0 =	vmmov $0xffff;
	v1 =	vshrl.u32 v2, $0x3;
	s24 =	simm.s32 $0x1400;
	s1 =	simm.s32 $0x2;
	s0 =	sadd.s32 s26, s0  }
0x19: {  	v0 =	vand.u32 $0x7, v2;
	v2 =	vor.u32 $0x8, v2;
	v1 =	vmul.u32 $0x8, v1;
	s26 =	simm.s32 $0x2400;
	[dreg:$0x5] =	wrdreg s0;
	s0 =	simm.s32 $0x5  }
.LBB2_1:
0x1a: {  	[dreg:$0x10] =	wrdreg s19  }
0x1b: {  	s9 =	rddreg [dreg:$0x6];
	s23 =	simm.s32 $0xB  }
0x1c: {  	[tilespmem:s3], [sflag:$0xB] =	stream.linear.gather [hbm4b:s9+s3], $0x400, $0x38;
	[tilespmem:$0x18400] =	vst v63  }
0x1d: {  	_ =	swait.ge [sflag:s23], $0x400  }
0x1e: {  	[sflag:s23] =	ssyncset.done $0x0  }
0x1f: {  	[sflag:s23] =	ssyncadd.s32 $0xFFFFFC00  }
0x20: {  	v3 =	vld [tilespmem:$0x0];
	_ =	sdelay $0x4  }
0x21: {  	v4 =	vshll.u32 v3, $0x3  }
0x22: {  	v3 =	vand.u32 $0x7, v3;
	v4 =	vand.u32 $0xFFFFFFC0, v4  }
0x23: {  	v3 =	vor.u32 v3, v4  }
0x24: {  	v4 =	vperm.xlane v3, v0;
	_ =	sdelay $0x1  }
0x25: {  	v4 =	vadd.s32 v1, v4;
	_ =	sdelay $0x3  }
0x26: {  	s20 =	simm.s32 $0x400  }
0x27: {  	[tilespmem:s20], [sflag:$0x1] =	stream.indirect_vreg.gather [hbm4b:s2+s3], $0x80, v4, vm0, $0xb8;
	[tilespmem:$0x18400] =	vst v63  }
0x28: {  	v3 =	vperm.xlane v3, v2  }
0x29: {  	[tilespmem:s28], [sflag:$0x1] =	stream.indirect_vreg.gather [hbm4b:s5+s3], $0x80, v4, vm0, $0xb8;
	[tilespmem:$0x18400] =	vst v63  }
0x2a: {  	v3 =	vadd.s32 v1, v3  }
0x2b: {  	[tilespmem:s24], [sflag:$0x1] =	stream.indirect_vreg.gather [hbm4b:s6+s3], $0x80, v4, vm0, $0xb8;
	[tilespmem:$0x18400] =	vst v63  }
0x2c: {  	_ = 	snop  }
0x2d: {  	[tilespmem:s25], [sflag:$0x1] =	stream.indirect_vreg.gather [hbm4b:s8+s3], $0x80, v4, vm0, $0xb8;
	[tilespmem:$0x18400] =	vst v63  }
0x2e: {  	_ = 	snop  }
0x2f: {  	[tilespmem:s26], [sflag:$0x1] =	stream.indirect_vreg.gather [hbm4b:s2+s3], $0x80, v3, vm0, $0xb8;
	[tilespmem:$0x18400] =	vst v63  }
0x30: {  	_ = 	snop  }
0x31: {  	[tilespmem:s13], [sflag:$0x1] =	stream.indirect_vreg.gather [hbm4b:s5+s3], $0x80, v3, vm0, $0xb8;
	[tilespmem:$0x18400] =	vst v63  }
0x32: {  	_ = 	snop  }
0x33: {  	[tilespmem:s29], [sflag:$0x1] =	stream.indirect_vreg.gather [hbm4b:s6+s3], $0x80, v3, vm0, $0xb8;
	[tilespmem:$0x18400] =	vst v63  }
0x34: {  	_ = 	snop  }
0x35: {  	[tilespmem:s22], [sflag:$0x1] =	stream.indirect_vreg.gather [hbm4b:s8+s3], $0x80, v3, vm0, $0xb8;
	[tilespmem:$0x18400] =	vst v63  }
0x36: {  	v3 =	vld [tilespmem:$0x10];
	_ =	sdelay $0x4  }
0x37: {  	v60 =	vshll.u32 v3, $0x3  }
0x38: {  	v3 =	vand.u32 $0x7, v3;
	v4 =	vand.u32 $0xFFFFFFC0, v60  }
0x39: {  	v3 =	vor.u32 v3, v4  }
0x3a: {  	v4 =	vperm.xlane v3, v0;
	_ =	sdelay $0x1  }
0x3b: {  	v4 =	vadd.s32 v1, v4;
	_ =	sdelay $0x3  }
0x3c: {  	s30 =	simm.s32 $0x4400  }
0x3d: {  	[tilespmem:s30], [sflag:$0x2] =	stream.indirect_vreg.gather [hbm4b:s2+s3], $0x80, v4, vm0, $0xb8;
	[tilespmem:$0x18400] =	vst v63  }
0x3e: {  	s19 =	simm.s32 $0x4C00;
	v3 =	vperm.xlane v3, v2  }
0x3f: {  	[tilespmem:s19], [sflag:$0x2] =	stream.indirect_vreg.gather [hbm4b:s5+s3], $0x80, v4, vm0, $0xb8;
	[tilespmem:$0x18400] =	vst v63  }
0x40: {  	s23 =	simm.s32 $0x5400;
	v3 =	vadd.s32 v1, v3  }
0x41: {  	[tilespmem:s23], [sflag:$0x2] =	stream.indirect_vreg.gather [hbm4b:s6+s3], $0x80, v4, vm0, $0xb8;
	[tilespmem:$0x18400] =	vst v63  }
0x42: {  	s19 =	simm.s32 $0x5C00  }
0x43: {  	[tilespmem:s19], [sflag:$0x2] =	stream.indirect_vreg.gather [hbm4b:s8+s3], $0x80, v4, vm0, $0xb8;
	[tilespmem:$0x18400] =	vst v63  }
0x44: {  	s23 =	simm.s32 $0x6400  }
0x45: {  	[tilespmem:s23], [sflag:$0x2] =	stream.indirect_vreg.gather [hbm4b:s2+s3], $0x80, v3, vm0, $0xb8;
	[tilespmem:$0x18400] =	vst v63  }
0x46: {  	s19 =	simm.s32 $0x6C00  }
0x47: {  	[tilespmem:s19], [sflag:$0x2] =	stream.indirect_vreg.gather [hbm4b:s5+s3], $0x80, v3, vm0, $0xb8;
	[tilespmem:$0x18400] =	vst v63  }
0x48: {  	s23 =	simm.s32 $0x7400  }
0x49: {  	[tilespmem:s23], [sflag:$0x2] =	stream.indirect_vreg.gather [hbm4b:s6+s3], $0x80, v3, vm0, $0xb8;
	[tilespmem:$0x18400] =	vst v63  }
0x4a: {  	s19 =	simm.s32 $0x7C00  }
0x4b: {  	[tilespmem:s19], [sflag:$0x2] =	stream.indirect_vreg.gather [hbm4b:s8+s3], $0x80, v3, vm0, $0xb8;
	[tilespmem:$0x18400] =	vst v63  }
0x4c: {  	v3 =	vld [tilespmem:$0x20];
	_ =	sdelay $0x4  }
0x4d: {  	v61 =	vshll.u32 v3, $0x3  }
0x4e: {  	v3 =	vand.u32 $0x7, v3;
	v4 =	vand.u32 $0xFFFFFFC0, v61  }
0x4f: {  	v3 =	vor.u32 v3, v4  }
0x50: {  	v4 =	vperm.xlane v3, v0;
	_ =	sdelay $0x1  }
0x51: {  	v4 =	vadd.s32 v1, v4;
	_ =	sdelay $0x4  }
0x52: {  	[tilespmem:s31], [sflag:$0x3] =	stream.indirect_vreg.gather [hbm4b:s2+s3], $0x80, v4, vm0, $0xb8;
	[tilespmem:$0x18400] =	vst v63  }
0x53: {  	s23 =	simm.s32 $0x8C00;
	v3 =	vperm.xlane v3, v2  }
0x54: {  	[tilespmem:s23], [sflag:$0x3] =	stream.indirect_vreg.gather [hbm4b:s5+s3], $0x80, v4, vm0, $0xb8;
	[tilespmem:$0x18400] =	vst v63  }
0x55: {  	v3 =	vadd.s32 v1, v3;
	s31 =	simm.s32 $0x9400  }
0x56: {  	[tilespmem:s31], [sflag:$0x3] =	stream.indirect_vreg.gather [hbm4b:s6+s3], $0x80, v4, vm0, $0xb8;
	[tilespmem:$0x18400] =	vst v63  }
0x57: {  	s19 =	simm.s32 $0x9C00  }
0x58: {  	[tilespmem:s19], [sflag:$0x3] =	stream.indirect_vreg.gather [hbm4b:s8+s3], $0x80, v4, vm0, $0xb8;
	[tilespmem:$0x18400] =	vst v63  }
0x59: {  	s23 =	simm.s32 $0xA400  }
0x5a: {  	[tilespmem:s23], [sflag:$0x3] =	stream.indirect_vreg.gather [hbm4b:s2+s3], $0x80, v3, vm0, $0xb8;
	[tilespmem:$0x18400] =	vst v63  }
0x5b: {  	s31 =	simm.s32 $0xAC00  }
0x5c: {  	[tilespmem:s31], [sflag:$0x3] =	stream.indirect_vreg.gather [hbm4b:s5+s3], $0x80, v3, vm0, $0xb8;
	[tilespmem:$0x18400] =	vst v63  }
0x5d: {  	s19 =	simm.s32 $0xB400  }
0x5e: {  	[tilespmem:s19], [sflag:$0x3] =	stream.indirect_vreg.gather [hbm4b:s6+s3], $0x80, v3, vm0, $0xb8;
	[tilespmem:$0x18400] =	vst v63  }
0x5f: {  	s23 =	simm.s32 $0xBC00  }
0x60: {  	[tilespmem:s23], [sflag:$0x3] =	stream.indirect_vreg.gather [hbm4b:s8+s3], $0x80, v3, vm0, $0xb8;
	[tilespmem:$0x18400] =	vst v63  }
0x61: {  	_ =	swait.ge [sflag:s21], $0x4000  }
0x62: {  	[sflag:s21] =	ssyncset.done $0x0  }
0x63: {  	[sflag:s21] =	ssyncadd.s32 $0xFFFFC000  }
0x64: {  	v3 =	vld [tilespmem:$0x30];
	_ =	sdelay $0x4  }
0x65: {  	v62 =	vshll.u32 v3, $0x3  }
0x66: {  	v3 =	vand.u32 $0x7, v3;
	v4 =	vand.u32 $0xFFFFFFC0, v62  }
0x67: {  	v3 =	vor.u32 v3, v4  }
0x68: {  	v4 =	vperm.xlane v3, v0;
	_ =	sdelay $0x1  }
0x69: {  	v4 =	vadd.s32 v1, v4;
	_ =	sdelay $0x4  }
0x6a: {  	[tilespmem:s18], [sflag:$0x4] =	stream.indirect_vreg.gather [hbm4b:s2+s3], $0x80, v4, vm0, $0xb8;
	[tilespmem:$0x18400] =	vst v63  }
0x6b: {  	s31 =	simm.s32 $0xCC00;
	v3 =	vperm.xlane v3, v2  }
0x6c: {  	[tilespmem:s31], [sflag:$0x4] =	stream.indirect_vreg.gather [hbm4b:s5+s3], $0x80, v4, vm0, $0xb8;
	[tilespmem:$0x18400] =	vst v63  }
0x6d: {  	v3 =	vadd.s32 v1, v3;
	s18 =	simm.s32 $0xD400  }
0x6e: {  	[tilespmem:s18], [sflag:$0x4] =	stream.indirect_vreg.gather [hbm4b:s6+s3], $0x80, v4, vm0, $0xb8;
	[tilespmem:$0x18400] =	vst v63  }
0x6f: {  	s19 =	simm.s32 $0xDC00  }
0x70: {  	[tilespmem:s19], [sflag:$0x4] =	stream.indirect_vreg.gather [hbm4b:s8+s3], $0x80, v4, vm0, $0xb8;
	[tilespmem:$0x18400] =	vst v63  }
0x71: {  	s23 =	simm.s32 $0xE400  }
0x72: {  	[tilespmem:s23], [sflag:$0x4] =	stream.indirect_vreg.gather [hbm4b:s2+s3], $0x80, v3, vm0, $0xb8;
	[tilespmem:$0x18400] =	vst v63  }
0x73: {  	s31 =	simm.s32 $0xEC00  }
0x74: {  	[tilespmem:s31], [sflag:$0x4] =	stream.indirect_vreg.gather [hbm4b:s5+s3], $0x80, v3, vm0, $0xb8;
	[tilespmem:$0x18400] =	vst v63  }
0x75: {  	s18 =	simm.s32 $0xF400  }
0x76: {  	[tilespmem:s18], [sflag:$0x4] =	stream.indirect_vreg.gather [hbm4b:s6+s3], $0x80, v3, vm0, $0xb8;
	[tilespmem:$0x18400] =	vst v63  }
0x77: {  	s19 =	simm.s32 $0xFC00  }
0x78: {  	[tilespmem:s19], [sflag:$0x4] =	stream.indirect_vreg.gather [hbm4b:s8+s3], $0x80, v3, vm0, $0xb8;
	[tilespmem:$0x18400] =	vst v63  }
0x79: {  	_ = 	snop  }
0x7a: {  	[spmem:s7] =	stream.linear.scatter [tilespmem:s20], [sflag:$0x5], $0x4000, $0x38;
	[tilespmem:$0x18400] =	vst v63  }
0x7b: {  	s23 =	stileid.u32;
	_ =	swait.ge [sflag:s0], $0x4000  }
0x7c: {  	s9 =	sshrl.u32 s7, $0x3;
	s31 =	sshll.u32 s23, $0x6;
	[sflag:s0] =	ssyncset.done $0x0  }
0x7d: {  	s18 =	sor.u32 $0x1C09, s31;
	s23 =	rddreg [dreg:$0x7];
	[sflag:s0] =	ssyncadd.s32 $0xFFFFC000  }
0x7e: {  	[hbm:s23], [sflag:s18] =	dma.local [spmem:s9], $0x800  }
0x7f: {  	_ =	swait.ge [sflag:s1], $0x4000  }
0x80: {  	[sflag:s1] =	ssyncset.done $0x0  }
0x81: {  	[sflag:s1] =	ssyncadd.s32 $0xFFFFC000  }
0x82: {  	v3 =	vld [tilespmem:$0x40];
	_ =	sdelay $0x4  }
0x83: {  	v63 =	vshll.u32 v3, $0x3  }
0x84: {  	v3 =	vand.u32 $0x7, v3;
	v4 =	vand.u32 $0xFFFFFFC0, v63  }
0x85: {  	v3 =	vor.u32 v3, v4  }
0x86: {  	v4 =	vperm.xlane v3, v0;
	_ =	sdelay $0x1  }
0x87: {  	v4 =	vadd.s32 v1, v4;
	_ =	sdelay $0x4  }
0x88: {  	[tilespmem:s20], [sflag:$0x1] =	stream.indirect_vreg.gather [hbm4b:s2+s3], $0x80, v4, vm0, $0xb8;
	[tilespmem:$0x18400] =	vst v63  }
0x89: {  	v3 =	vperm.xlane v3, v2  }
0x8a: {  	[tilespmem:s28], [sflag:$0x1] =	stream.indirect_vreg.gather [hbm4b:s5+s3], $0x80, v4, vm0, $0xb8;
	[tilespmem:$0x18400] =	vst v63  }
0x8b: {  	v3 =	vadd.s32 v1, v3  }
0x8c: {  	[tilespmem:s24], [sflag:$0x1] =	stream.indirect_vreg.gather [hbm4b:s6+s3], $0x80, v4, vm0, $0xb8;
	[tilespmem:$0x18400] =	vst v63  }
0x8d: {  	_ = 	snop  }
0x8e: {  	[tilespmem:s25], [sflag:$0x1] =	stream.indirect_vreg.gather [hbm4b:s8+s3], $0x80, v4, vm0, $0xb8;
	[tilespmem:$0x18400] =	vst v63  }
0x8f: {  	_ = 	snop  }
0x90: {  	[tilespmem:s26], [sflag:$0x1] =	stream.indirect_vreg.gather [hbm4b:s2+s3], $0x80, v3, vm0, $0xb8;
	[tilespmem:$0x18400] =	vst v63  }
0x91: {  	_ = 	snop  }
0x92: {  	[tilespmem:s13], [sflag:$0x1] =	stream.indirect_vreg.gather [hbm4b:s5+s3], $0x80, v3, vm0, $0xb8;
	[tilespmem:$0x18400] =	vst v63  }
0x93: {  	_ = 	snop  }
0x94: {  	[tilespmem:s29], [sflag:$0x1] =	stream.indirect_vreg.gather [hbm4b:s6+s3], $0x80, v3, vm0, $0xb8;
	[tilespmem:$0x18400] =	vst v63  }
0x95: {  	_ = 	snop  }
0x96: {  	[tilespmem:s22], [sflag:$0x1] =	stream.indirect_vreg.gather [hbm4b:s8+s3], $0x80, v3, vm0, $0xb8;
	[tilespmem:$0x18400] =	vst v63  }
0x97: {  	s19 =	sor.u32 $0x1C0A, s31  }
0x98: {  	[spmem:s10] =	stream.linear.scatter [tilespmem:s30], [sflag:$0x6], $0x4000, $0x38;
	[tilespmem:$0x18400] =	vst v63  }
0x99: {  	s23 =	sshrl.u32 s10, $0x3;
	s24 =	simm.s32 $0x80;
	_ =	swait.ge [sflag:s4], $0x4000  }
0x9a: {  	s25 =	simm.s32 $0x0;
	s22 =	simm.s32 $0x3400;
	[sflag:s4] =	ssyncset.done $0x0  }
0x9b: {  	s30 =	simm.s32 $0x3C00;
	s31 =	rddreg [dreg:$0x8];
	[sflag:s4] =	ssyncadd.s32 $0xFFFFC000  }
0x9c: {  	[hbm:s31], [sflag:s19] =	dma.local [spmem:s23], $0x800  }
.LBB2_2:
0x9d: {  	_ =	swait.ge [sflag:s11], $0x4000  }
0x9e: {  	[sflag:s11] =	ssyncset.done $0x0  }
0x9f: {  	[sflag:s11] =	ssyncadd.s32 $0xFFFFC000  }
0xa0: {  	v3 =	vld [tilespmem:s24+$0xFFFFFFD0];
	_ =	sdelay $0x4  }
0xa1: {  	v4 =	vshll.u32 v3, $0x3  }
0xa2: {  	v3 =	vand.u32 $0x7, v3;
	v4 =	vand.u32 $0xFFFFFFC0, v4  }
0xa3: {  	v3 =	vor.u32 v3, v4  }
0xa4: {  	v4 =	vperm.xlane v3, v0;
	_ =	sdelay $0x1  }
0xa5: {  	v4 =	vadd.s32 v1, v4;
	_ =	sdelay $0x3  }
0xa6: {  	s31 =	simm.s32 $0x4400  }
0xa7: {  	[tilespmem:s31], [sflag:$0x2] =	stream.indirect_vreg.gather [hbm4b:s2+s3], $0x80, v4, vm0, $0xb8;
	[tilespmem:$0x18400] =	vst v63  }
0xa8: {  	s13 =	simm.s32 $0x4C00;
	v3 =	vperm.xlane v3, v2  }
0xa9: {  	[tilespmem:s13], [sflag:$0x2] =	stream.indirect_vreg.gather [hbm4b:s5+s3], $0x80, v4, vm0, $0xb8;
	[tilespmem:$0x18400] =	vst v63  }
0xaa: {  	s20 =	simm.s32 $0x5400;
	v3 =	vadd.s32 v1, v3  }
0xab: {  	[tilespmem:s20], [sflag:$0x2] =	stream.indirect_vreg.gather [hbm4b:s6+s3], $0x80, v4, vm0, $0xb8;
	[tilespmem:$0x18400] =	vst v63  }
0xac: {  	s26 =	simm.s32 $0x5C00  }
0xad: {  	[tilespmem:s26], [sflag:$0x2] =	stream.indirect_vreg.gather [hbm4b:s8+s3], $0x80, v4, vm0, $0xb8;
	[tilespmem:$0x18400] =	vst v63  }
0xae: {  	s20 =	simm.s32 $0x6400  }
0xaf: {  	[tilespmem:s20], [sflag:$0x2] =	stream.indirect_vreg.gather [hbm4b:s2+s3], $0x80, v3, vm0, $0xb8;
	[tilespmem:$0x18400] =	vst v63  }
0xb0: {  	s26 =	simm.s32 $0x6C00  }
0xb1: {  	[tilespmem:s26], [sflag:$0x2] =	stream.indirect_vreg.gather [hbm4b:s5+s3], $0x80, v3, vm0, $0xb8;
	[tilespmem:$0x18400] =	vst v63  }
0xb2: {  	s20 =	simm.s32 $0x7400  }
0xb3: {  	[tilespmem:s20], [sflag:$0x2] =	stream.indirect_vreg.gather [hbm4b:s6+s3], $0x80, v3, vm0, $0xb8;
	[tilespmem:$0x18400] =	vst v63  }
0xb4: {  	s26 =	simm.s32 $0x7C00  }
0xb5: {  	[tilespmem:s26], [sflag:$0x2] =	stream.indirect_vreg.gather [hbm4b:s8+s3], $0x80, v3, vm0, $0xb8;
	[tilespmem:$0x18400] =	vst v63  }
0xb6: {  	_ =	swait.ge [sflag:s12], $0x800  }
0xb7: {  	[sflag:s12] =	ssyncset.done $0x0  }
0xb8: {  	s20 =	simm.s32 $0x8400;
	[sflag:s12] =	ssyncadd.s32 $0xFFFFF800  }
0xb9: {  	[spmem:s7] =	stream.linear.scatter [tilespmem:s20], [sflag:$0x7], $0x4000, $0x38;
	[tilespmem:$0x18400] =	vst v63  }
0xba: {  	_ =	swait.ge [sflag:s14], $0x4000  }
0xbb: {  	s26 =	rddreg [dreg:$0x5]  }
0xbc: {  	[sflag:s14] =	ssyncset.done $0x0;
	s26 =	sadd.s32 s25, s26  }
0xbd: {  	[sflag:s14] =	ssyncadd.s32 $0xFFFFC000;
	s28 =	sadd.s32 $0x1000, s26  }
0xbe: {  	[hbm:s28], [sflag:s18] =	dma.local [spmem:s9], $0x800  }
0xbf: {  	_ =	swait.ge [sflag:s15], $0x4000  }
0xc0: {  	[sflag:s15] =	ssyncset.done $0x0  }
0xc1: {  	[sflag:s15] =	ssyncadd.s32 $0xFFFFC000  }
0xc2: {  	v3 =	vld [tilespmem:s24+$0xFFFFFFE0];
	_ =	sdelay $0x4  }
0xc3: {  	v61 =	vshll.u32 v3, $0x3  }
0xc4: {  	v3 =	vand.u32 $0x7, v3;
	v4 =	vand.u32 $0xFFFFFFC0, v61  }
0xc5: {  	v3 =	vor.u32 v3, v4  }
0xc6: {  	v4 =	vperm.xlane v3, v0;
	_ =	sdelay $0x1  }
0xc7: {  	v4 =	vadd.s32 v1, v4;
	_ =	sdelay $0x4  }
0xc8: {  	[tilespmem:s20], [sflag:$0x3] =	stream.indirect_vreg.gather [hbm4b:s2+s3], $0x80, v4, vm0, $0xb8;
	[tilespmem:$0x18400] =	vst v63  }
0xc9: {  	v3 =	vperm.xlane v3, v2;
	s20 =	simm.s32 $0x8C00  }
0xca: {  	[tilespmem:s20], [sflag:$0x3] =	stream.indirect_vreg.gather [hbm4b:s5+s3], $0x80, v4, vm0, $0xb8;
	[tilespmem:$0x18400] =	vst v63  }
0xcb: {  	v3 =	vadd.s32 v1, v3;
	s20 =	simm.s32 $0x9400  }
0xcc: {  	[tilespmem:s20], [sflag:$0x3] =	stream.indirect_vreg.gather [hbm4b:s6+s3], $0x80, v4, vm0, $0xb8;
	[tilespmem:$0x18400] =	vst v63  }
0xcd: {  	s20 =	simm.s32 $0x9C00  }
0xce: {  	[tilespmem:s20], [sflag:$0x3] =	stream.indirect_vreg.gather [hbm4b:s8+s3], $0x80, v4, vm0, $0xb8;
	[tilespmem:$0x18400] =	vst v63  }
0xcf: {  	s20 =	simm.s32 $0xA400  }
0xd0: {  	[tilespmem:s20], [sflag:$0x3] =	stream.indirect_vreg.gather [hbm4b:s2+s3], $0x80, v3, vm0, $0xb8;
	[tilespmem:$0x18400] =	vst v63  }
0xd1: {  	s20 =	simm.s32 $0xAC00  }
0xd2: {  	[tilespmem:s20], [sflag:$0x3] =	stream.indirect_vreg.gather [hbm4b:s5+s3], $0x80, v3, vm0, $0xb8;
	[tilespmem:$0x18400] =	vst v63  }
0xd3: {  	s20 =	simm.s32 $0xB400  }
0xd4: {  	[tilespmem:s20], [sflag:$0x3] =	stream.indirect_vreg.gather [hbm4b:s6+s3], $0x80, v3, vm0, $0xb8;
	[tilespmem:$0x18400] =	vst v63  }
0xd5: {  	s20 =	simm.s32 $0xBC00  }
0xd6: {  	[tilespmem:s20], [sflag:$0x3] =	stream.indirect_vreg.gather [hbm4b:s8+s3], $0x80, v3, vm0, $0xb8;
	[tilespmem:$0x18400] =	vst v63  }
0xd7: {  	_ =	swait.ge [sflag:s16], $0x800  }
0xd8: {  	[sflag:s16] =	ssyncset.done $0x0  }
0xd9: {  	s20 =	simm.s32 $0xC400;
	[sflag:s16] =	ssyncadd.s32 $0xFFFFF800  }
0xda: {  	[spmem:s10] =	stream.linear.scatter [tilespmem:s20], [sflag:$0x8], $0x4000, $0x38;
	[tilespmem:$0x18400] =	vst v63  }
0xdb: {  	_ =	swait.ge [sflag:s17], $0x4000  }
0xdc: {  	[sflag:s17] =	ssyncset.done $0x0  }
0xdd: {  	s28 =	sadd.s32 $0x1800, s26;
	[sflag:s17] =	ssyncadd.s32 $0xFFFFC000  }
0xde: {  	[hbm:s28], [sflag:s19] =	dma.local [spmem:s23], $0x800  }
0xdf: {  	_ =	swait.ge [sflag:s21], $0x4000  }
0xe0: {  	[sflag:s21] =	ssyncset.done $0x0  }
0xe1: {  	[sflag:s21] =	ssyncadd.s32 $0xFFFFC000  }
0xe2: {  	v3 =	vld [tilespmem:s24+$0xFFFFFFF0];
	_ =	sdelay $0x4  }
0xe3: {  	v62 =	vshll.u32 v3, $0x3  }
0xe4: {  	v3 =	vand.u32 $0x7, v3;
	v4 =	vand.u32 $0xFFFFFFC0, v62  }
0xe5: {  	v3 =	vor.u32 v3, v4  }
0xe6: {  	v4 =	vperm.xlane v3, v0;
	_ =	sdelay $0x1  }
0xe7: {  	v4 =	vadd.s32 v1, v4;
	_ =	sdelay $0x4  }
0xe8: {  	[tilespmem:s20], [sflag:$0x4] =	stream.indirect_vreg.gather [hbm4b:s2+s3], $0x80, v4, vm0, $0xb8;
	[tilespmem:$0x18400] =	vst v63  }
0xe9: {  	v3 =	vperm.xlane v3, v2;
	s20 =	simm.s32 $0xCC00  }
0xea: {  	[tilespmem:s20], [sflag:$0x4] =	stream.indirect_vreg.gather [hbm4b:s5+s3], $0x80, v4, vm0, $0xb8;
	[tilespmem:$0x18400] =	vst v63  }
0xeb: {  	v3 =	vadd.s32 v1, v3;
	s20 =	simm.s32 $0xD400  }
0xec: {  	[tilespmem:s20], [sflag:$0x4] =	stream.indirect_vreg.gather [hbm4b:s6+s3], $0x80, v4, vm0, $0xb8;
	[tilespmem:$0x18400] =	vst v63  }
0xed: {  	s20 =	simm.s32 $0xDC00  }
0xee: {  	[tilespmem:s20], [sflag:$0x4] =	stream.indirect_vreg.gather [hbm4b:s8+s3], $0x80, v4, vm0, $0xb8;
	[tilespmem:$0x18400] =	vst v63  }
0xef: {  	s20 =	simm.s32 $0xE400  }
0xf0: {  	[tilespmem:s20], [sflag:$0x4] =	stream.indirect_vreg.gather [hbm4b:s2+s3], $0x80, v3, vm0, $0xb8;
	[tilespmem:$0x18400] =	vst v63  }
0xf1: {  	s20 =	simm.s32 $0xEC00  }
0xf2: {  	[tilespmem:s20], [sflag:$0x4] =	stream.indirect_vreg.gather [hbm4b:s5+s3], $0x80, v3, vm0, $0xb8;
	[tilespmem:$0x18400] =	vst v63  }
0xf3: {  	s20 =	simm.s32 $0xF400  }
0xf4: {  	[tilespmem:s20], [sflag:$0x4] =	stream.indirect_vreg.gather [hbm4b:s6+s3], $0x80, v3, vm0, $0xb8;
	[tilespmem:$0x18400] =	vst v63  }
0xf5: {  	s20 =	simm.s32 $0xFC00  }
0xf6: {  	[tilespmem:s20], [sflag:$0x4] =	stream.indirect_vreg.gather [hbm4b:s8+s3], $0x80, v3, vm0, $0xb8;
	[tilespmem:$0x18400] =	vst v63  }
0xf7: {  	_ =	swait.ge [sflag:s12], $0x800  }
0xf8: {  	[sflag:s12] =	ssyncset.done $0x0  }
0xf9: {  	s20 =	simm.s32 $0x400;
	[sflag:s12] =	ssyncadd.s32 $0xFFFFF800  }
0xfa: {  	[spmem:s7] =	stream.linear.scatter [tilespmem:s20], [sflag:$0x5], $0x4000, $0x38;
	[tilespmem:$0x18400] =	vst v63  }
0xfb: {  	_ =	swait.ge [sflag:s0], $0x4000  }
0xfc: {  	[sflag:s0] =	ssyncset.done $0x0  }
0xfd: {  	s28 =	sadd.s32 $0x2000, s26;
	[sflag:s0] =	ssyncadd.s32 $0xFFFFC000  }
0xfe: {  	[hbm:s28], [sflag:s18] =	dma.local [spmem:s9], $0x800  }
0xff: {  	_ =	swait.ge [sflag:s1], $0x4000  }
0x100: {  	[sflag:s1] =	ssyncset.done $0x0  }
0x101: {  	[sflag:s1] =	ssyncadd.s32 $0xFFFFC000  }
0x102: {  	v3 =	vld [tilespmem:s24+$0x0];
	_ =	sdelay $0x4  }
0x103: {  	v63 =	vshll.u32 v3, $0x3  }
0x104: {  	v3 =	vand.u32 $0x7, v3;
	v4 =	vand.u32 $0xFFFFFFC0, v63  }
0x105: {  	v3 =	vor.u32 v3, v4  }
0x106: {  	v4 =	vperm.xlane v3, v0;
	_ =	sdelay $0x1  }
0x107: {  	v4 =	vadd.s32 v1, v4;
	_ =	sdelay $0x4  }
0x108: {  	[tilespmem:s20], [sflag:$0x1] =	stream.indirect_vreg.gather [hbm4b:s2+s3], $0x80, v4, vm0, $0xb8;
	[tilespmem:$0x18400] =	vst v63  }
0x109: {  	s28 =	simm.s32 $0xC00;
	v3 =	vperm.xlane v3, v2  }
0x10a: {  	[tilespmem:s28], [sflag:$0x1] =	stream.indirect_vreg.gather [hbm4b:s5+s3], $0x80, v4, vm0, $0xb8;
	[tilespmem:$0x18400] =	vst v63  }
0x10b: {  	v3 =	vadd.s32 v1, v3;
	s20 =	simm.s32 $0x1400  }
0x10c: {  	[tilespmem:s20], [sflag:$0x1] =	stream.indirect_vreg.gather [hbm4b:s6+s3], $0x80, v4, vm0, $0xb8;
	[tilespmem:$0x18400] =	vst v63  }
0x10d: {  	s20 =	simm.s32 $0x1C00  }
0x10e: {  	[tilespmem:s20], [sflag:$0x1] =	stream.indirect_vreg.gather [hbm4b:s8+s3], $0x80, v4, vm0, $0xb8;
	[tilespmem:$0x18400] =	vst v63  }
0x10f: {  	s20 =	simm.s32 $0x2400  }
0x110: {  	[tilespmem:s20], [sflag:$0x1] =	stream.indirect_vreg.gather [hbm4b:s2+s3], $0x80, v3, vm0, $0xb8;
	[tilespmem:$0x18400] =	vst v63  }
0x111: {  	s13 =	simm.s32 $0x2C00  }
0x112: {  	[tilespmem:s13], [sflag:$0x1] =	stream.indirect_vreg.gather [hbm4b:s5+s3], $0x80, v3, vm0, $0xb8;
	[tilespmem:$0x18400] =	vst v63  }
0x113: {  	_ = 	snop  }
0x114: {  	[tilespmem:s22], [sflag:$0x1] =	stream.indirect_vreg.gather [hbm4b:s6+s3], $0x80, v3, vm0, $0xb8;
	[tilespmem:$0x18400] =	vst v63  }
0x115: {  	_ = 	snop  }
0x116: {  	[tilespmem:s30], [sflag:$0x1] =	stream.indirect_vreg.gather [hbm4b:s8+s3], $0x80, v3, vm0, $0xb8;
	[tilespmem:$0x18400] =	vst v63  }
0x117: {  	_ =	swait.ge [sflag:s16], $0x800  }
0x118: {  	[sflag:s16] =	ssyncset.done $0x0  }
0x119: {  	p0 =	sne.s32 s25, $0x1A000;
	[sflag:s16] =	ssyncadd.s32 $0xFFFFF800  }
0x11a: {  	[spmem:s10] =	stream.linear.scatter [tilespmem:s31], [sflag:$0x6], $0x4000, $0x38;
	[tilespmem:$0x18400] =	vst v63  }
.Ltmp0:
0x11b: {  	_ = 	snop;
	(pc) =	sbr.rel @p0 .LBB2_2-.Ltmp0, $4  }
0x11c: {  	_ =	swait.ge [sflag:s4], $0x4000  }
0x11d: {  	s29 =	simm.s32 $0x400;
	s25 =	sadd.s32 $0x2000, s25;
	[sflag:s4] =	ssyncset.done $0x0  }
0x11e: {  	s26 =	sadd.s32 $0x2800, s26;
	s24 =	sadd.s32 $0x40, s24;
	[sflag:s4] =	ssyncadd.s32 $0xFFFFC000  }
0x11f: {  	[hbm:s26], [sflag:s19] =	dma.local [spmem:s23], $0x800  }
0x120: {  	_ =	swait.ge [sflag:s11], $0x4000  }
0x121: {  	[sflag:s11] =	ssyncset.done $0x0  }
0x122: {  	[sflag:s11] =	ssyncadd.s32 $0xFFFFC000  }
0x123: {  	v3 =	vld [tilespmem:$0x3D0];
	_ =	sdelay $0x4  }
0x124: {  	v4 =	vshll.u32 v3, $0x3  }
0x125: {  	v3 =	vand.u32 $0x7, v3;
	v4 =	vand.u32 $0xFFFFFFC0, v4  }
0x126: {  	v3 =	vor.u32 v3, v4  }
0x127: {  	v4 =	vperm.xlane v3, v0;
	_ =	sdelay $0x1  }
0x128: {  	v4 =	vadd.s32 v1, v4;
	_ =	sdelay $0x3  }
0x129: {  	s20 =	simm.s32 $0x4400  }
0x12a: {  	[tilespmem:s20], [sflag:$0x2] =	stream.indirect_vreg.gather [hbm4b:s2+s3], $0x80, v4, vm0, $0xb8;
	[tilespmem:$0x18400] =	vst v63  }
0x12b: {  	s22 =	simm.s32 $0x4C00;
	v3 =	vperm.xlane v3, v2  }
0x12c: {  	[tilespmem:s22], [sflag:$0x2] =	stream.indirect_vreg.gather [hbm4b:s5+s3], $0x80, v4, vm0, $0xb8;
	[tilespmem:$0x18400] =	vst v63  }
0x12d: {  	s24 =	simm.s32 $0x5400;
	v3 =	vadd.s32 v1, v3  }
0x12e: {  	[tilespmem:s24], [sflag:$0x2] =	stream.indirect_vreg.gather [hbm4b:s6+s3], $0x80, v4, vm0, $0xb8;
	[tilespmem:$0x18400] =	vst v63  }
0x12f: {  	s25 =	simm.s32 $0x5C00  }
0x130: {  	[tilespmem:s25], [sflag:$0x2] =	stream.indirect_vreg.gather [hbm4b:s8+s3], $0x80, v4, vm0, $0xb8;
	[tilespmem:$0x18400] =	vst v63  }
0x131: {  	s26 =	simm.s32 $0x6400  }
0x132: {  	[tilespmem:s26], [sflag:$0x2] =	stream.indirect_vreg.gather [hbm4b:s2+s3], $0x80, v3, vm0, $0xb8;
	[tilespmem:$0x18400] =	vst v63  }
0x133: {  	s30 =	simm.s32 $0x6C00  }
0x134: {  	[tilespmem:s30], [sflag:$0x2] =	stream.indirect_vreg.gather [hbm4b:s5+s3], $0x80, v3, vm0, $0xb8;
	[tilespmem:$0x18400] =	vst v63  }
0x135: {  	s24 =	simm.s32 $0x7400  }
0x136: {  	[tilespmem:s24], [sflag:$0x2] =	stream.indirect_vreg.gather [hbm4b:s6+s3], $0x80, v3, vm0, $0xb8;
	[tilespmem:$0x18400] =	vst v63  }
0x137: {  	s25 =	simm.s32 $0x7C00  }
0x138: {  	[tilespmem:s25], [sflag:$0x2] =	stream.indirect_vreg.gather [hbm4b:s8+s3], $0x80, v3, vm0, $0xb8;
	[tilespmem:$0x18400] =	vst v63  }
0x139: {  	_ =	swait.ge [sflag:s12], $0x800  }
0x13a: {  	[sflag:s12] =	ssyncset.done $0x0  }
0x13b: {  	s22 =	simm.s32 $0x8400;
	[sflag:s12] =	ssyncadd.s32 $0xFFFFF800  }
0x13c: {  	[spmem:s7] =	stream.linear.scatter [tilespmem:s22], [sflag:$0x7], $0x4000, $0x38;
	[tilespmem:$0x18400] =	vst v63  }
0x13d: {  	_ =	swait.ge [sflag:s14], $0x4000  }
0x13e: {  	[sflag:s14] =	ssyncset.done $0x0  }
0x13f: {  	s24 =	rddreg [dreg:$0x9];
	[sflag:s14] =	ssyncadd.s32 $0xFFFFC000  }
0x140: {  	[hbm:s24], [sflag:s18] =	dma.local [spmem:s9], $0x800  }
0x141: {  	_ =	swait.ge [sflag:s15], $0x4000  }
0x142: {  	[sflag:s15] =	ssyncset.done $0x0  }
0x143: {  	[sflag:s15] =	ssyncadd.s32 $0xFFFFC000  }
0x144: {  	v3 =	vld [tilespmem:$0x3E0];
	_ =	sdelay $0x4  }
0x145: {  	v62 =	vshll.u32 v3, $0x3  }
0x146: {  	v3 =	vand.u32 $0x7, v3;
	v4 =	vand.u32 $0xFFFFFFC0, v62  }
0x147: {  	v3 =	vor.u32 v3, v4  }
0x148: {  	v4 =	vperm.xlane v3, v0;
	_ =	sdelay $0x1  }
0x149: {  	v4 =	vadd.s32 v1, v4;
	_ =	sdelay $0x4  }
0x14a: {  	[tilespmem:s22], [sflag:$0x3] =	stream.indirect_vreg.gather [hbm4b:s2+s3], $0x80, v4, vm0, $0xb8;
	[tilespmem:$0x18400] =	vst v63  }
0x14b: {  	s26 =	simm.s32 $0x8C00;
	v3 =	vperm.xlane v3, v2  }
0x14c: {  	[tilespmem:s26], [sflag:$0x3] =	stream.indirect_vreg.gather [hbm4b:s5+s3], $0x80, v4, vm0, $0xb8;
	[tilespmem:$0x18400] =	vst v63  }
0x14d: {  	s30 =	simm.s32 $0x9400;
	v3 =	vadd.s32 v1, v3  }
0x14e: {  	[tilespmem:s30], [sflag:$0x3] =	stream.indirect_vreg.gather [hbm4b:s6+s3], $0x80, v4, vm0, $0xb8;
	[tilespmem:$0x18400] =	vst v63  }
0x14f: {  	s25 =	simm.s32 $0x9C00  }
0x150: {  	[tilespmem:s25], [sflag:$0x3] =	stream.indirect_vreg.gather [hbm4b:s8+s3], $0x80, v4, vm0, $0xb8;
	[tilespmem:$0x18400] =	vst v63  }
0x151: {  	s26 =	simm.s32 $0xA400  }
0x152: {  	[tilespmem:s26], [sflag:$0x3] =	stream.indirect_vreg.gather [hbm4b:s2+s3], $0x80, v3, vm0, $0xb8;
	[tilespmem:$0x18400] =	vst v63  }
0x153: {  	s30 =	simm.s32 $0xAC00  }
0x154: {  	[tilespmem:s30], [sflag:$0x3] =	stream.indirect_vreg.gather [hbm4b:s5+s3], $0x80, v3, vm0, $0xb8;
	[tilespmem:$0x18400] =	vst v63  }
0x155: {  	s25 =	simm.s32 $0xB400  }
0x156: {  	[tilespmem:s25], [sflag:$0x3] =	stream.indirect_vreg.gather [hbm4b:s6+s3], $0x80, v3, vm0, $0xb8;
	[tilespmem:$0x18400] =	vst v63  }
0x157: {  	s26 =	simm.s32 $0xBC00  }
0x158: {  	[tilespmem:s26], [sflag:$0x3] =	stream.indirect_vreg.gather [hbm4b:s8+s3], $0x80, v3, vm0, $0xb8;
	[tilespmem:$0x18400] =	vst v63  }
0x159: {  	_ =	swait.ge [sflag:s16], $0x800  }
0x15a: {  	[sflag:s16] =	ssyncset.done $0x0  }
0x15b: {  	s25 =	simm.s32 $0xC400;
	[sflag:s16] =	ssyncadd.s32 $0xFFFFF800  }
0x15c: {  	[spmem:s10] =	stream.linear.scatter [tilespmem:s25], [sflag:$0x8], $0x4000, $0x38;
	[tilespmem:$0x18400] =	vst v63  }
0x15d: {  	_ =	swait.ge [sflag:s17], $0x4000  }
0x15e: {  	[sflag:s17] =	ssyncset.done $0x0  }
0x15f: {  	s30 =	rddreg [dreg:$0xa];
	[sflag:s17] =	ssyncadd.s32 $0xFFFFC000  }
0x160: {  	[hbm:s30], [sflag:s19] =	dma.local [spmem:s23], $0x800  }
0x161: {  	_ =	swait.ge [sflag:s21], $0x4000  }
0x162: {  	[sflag:s21] =	ssyncset.done $0x0  }
0x163: {  	[sflag:s21] =	ssyncadd.s32 $0xFFFFC000  }
0x164: {  	v3 =	vld [tilespmem:$0x3F0];
	_ =	sdelay $0x4  }
0x165: {  	v63 =	vshll.u32 v3, $0x3  }
0x166: {  	v3 =	vand.u32 $0x7, v3;
	v4 =	vand.u32 $0xFFFFFFC0, v63  }
0x167: {  	v3 =	vor.u32 v3, v4  }
0x168: {  	v4 =	vperm.xlane v3, v0;
	_ =	sdelay $0x1  }
0x169: {  	v4 =	vadd.s32 v1, v4;
	_ =	sdelay $0x4  }
0x16a: {  	[tilespmem:s25], [sflag:$0x4] =	stream.indirect_vreg.gather [hbm4b:s2+s3], $0x80, v4, vm0, $0xb8;
	[tilespmem:$0x18400] =	vst v63  }
0x16b: {  	s26 =	simm.s32 $0xCC00;
	v3 =	vperm.xlane v3, v2  }
0x16c: {  	[tilespmem:s26], [sflag:$0x4] =	stream.indirect_vreg.gather [hbm4b:s5+s3], $0x80, v4, vm0, $0xb8;
	[tilespmem:$0x18400] =	vst v63  }
0x16d: {  	s30 =	simm.s32 $0xD400;
	v3 =	vadd.s32 v1, v3  }
0x16e: {  	[tilespmem:s30], [sflag:$0x4] =	stream.indirect_vreg.gather [hbm4b:s6+s3], $0x80, v4, vm0, $0xb8;
	[tilespmem:$0x18400] =	vst v63  }
0x16f: {  	s26 =	simm.s32 $0xDC00  }
0x170: {  	[tilespmem:s26], [sflag:$0x4] =	stream.indirect_vreg.gather [hbm4b:s8+s3], $0x80, v4, vm0, $0xb8;
	[tilespmem:$0x18400] =	vst v63  }
0x171: {  	s30 =	simm.s32 $0xE400  }
0x172: {  	[tilespmem:s30], [sflag:$0x4] =	stream.indirect_vreg.gather [hbm4b:s2+s3], $0x80, v3, vm0, $0xb8;
	[tilespmem:$0x18400] =	vst v63  }
0x173: {  	s26 =	simm.s32 $0xEC00  }
0x174: {  	[tilespmem:s26], [sflag:$0x4] =	stream.indirect_vreg.gather [hbm4b:s5+s3], $0x80, v3, vm0, $0xb8;
	[tilespmem:$0x18400] =	vst v63  }
0x175: {  	s30 =	simm.s32 $0xF400  }
0x176: {  	[tilespmem:s30], [sflag:$0x4] =	stream.indirect_vreg.gather [hbm4b:s6+s3], $0x80, v3, vm0, $0xb8;
	[tilespmem:$0x18400] =	vst v63  }
0x177: {  	s26 =	simm.s32 $0xFC00  }
0x178: {  	[tilespmem:s26], [sflag:$0x4] =	stream.indirect_vreg.gather [hbm4b:s8+s3], $0x80, v3, vm0, $0xb8;
	[tilespmem:$0x18400] =	vst v63  }
0x179: {  	_ =	swait.ge [sflag:s12], $0x800  }
0x17a: {  	[sflag:s12] =	ssyncset.done $0x0  }
0x17b: {  	[sflag:s12] =	ssyncadd.s32 $0xFFFFF800  }
0x17c: {  	[spmem:s7] =	stream.linear.scatter [tilespmem:s29], [sflag:$0x5], $0x4000, $0x38;
	[tilespmem:$0x18400] =	vst v63  }
0x17d: {  	_ =	swait.ge [sflag:s0], $0x4000  }
0x17e: {  	[sflag:s0] =	ssyncset.done $0x0  }
0x17f: {  	s30 =	rddreg [dreg:$0xb];
	[sflag:s0] =	ssyncadd.s32 $0xFFFFC000  }
0x180: {  	[hbm:s30], [sflag:s18] =	dma.local [spmem:s9], $0x800  }
0x181: {  	_ =	swait.ge [sflag:s1], $0x4000  }
0x182: {  	[sflag:s1] =	ssyncset.done $0x0  }
0x183: {  	[sflag:s1] =	ssyncadd.s32 $0xFFFFC000  }
0x184: {  	_ =	swait.ge [sflag:s16], $0x800  }
0x185: {  	[sflag:s16] =	ssyncset.done $0x0  }
0x186: {  	[sflag:s16] =	ssyncadd.s32 $0xFFFFF800  }
0x187: {  	[spmem:s10] =	stream.linear.scatter [tilespmem:s20], [sflag:$0x6], $0x4000, $0x38;
	[tilespmem:$0x18400] =	vst v63  }
0x188: {  	_ =	swait.ge [sflag:s4], $0x4000  }
0x189: {  	[sflag:s4] =	ssyncset.done $0x0  }
0x18a: {  	s20 =	rddreg [dreg:$0xc];
	[sflag:s4] =	ssyncadd.s32 $0xFFFFC000  }
0x18b: {  	[hbm:s20], [sflag:s19] =	dma.local [spmem:s23], $0x800  }
0x18c: {  	_ =	swait.ge [sflag:s11], $0x4000  }
0x18d: {  	[sflag:s11] =	ssyncset.done $0x0  }
0x18e: {  	[sflag:s11] =	ssyncadd.s32 $0xFFFFC000  }
0x18f: {  	_ =	swait.ge [sflag:s12], $0x800  }
0x190: {  	[sflag:s12] =	ssyncset.done $0x0  }
0x191: {  	[sflag:s12] =	ssyncadd.s32 $0xFFFFF800  }
0x192: {  	[spmem:s7] =	stream.linear.scatter [tilespmem:s22], [sflag:$0x7], $0x4000, $0x38;
	[tilespmem:$0x18400] =	vst v63  }
0x193: {  	_ =	swait.ge [sflag:s14], $0x4000  }
0x194: {  	[sflag:s14] =	ssyncset.done $0x0  }
0x195: {  	s22 =	rddreg [dreg:$0xd];
	[sflag:s14] =	ssyncadd.s32 $0xFFFFC000  }
0x196: {  	[hbm:s22], [sflag:s18] =	dma.local [spmem:s9], $0x800  }
0x197: {  	_ =	swait.ge [sflag:s15], $0x4000  }
0x198: {  	[sflag:s15] =	ssyncset.done $0x0  }
0x199: {  	[sflag:s15] =	ssyncadd.s32 $0xFFFFC000  }
0x19a: {  	_ =	swait.ge [sflag:s16], $0x800  }
0x19b: {  	[sflag:s16] =	ssyncset.done $0x0  }
0x19c: {  	[sflag:s16] =	ssyncadd.s32 $0xFFFFF800  }
0x19d: {  	[spmem:s10] =	stream.linear.scatter [tilespmem:s25], [sflag:$0x8], $0x4000, $0x38;
	[tilespmem:$0x18400] =	vst v63  }
0x19e: {  	_ =	swait.ge [sflag:s17], $0x4000  }
0x19f: {  	[sflag:s17] =	ssyncset.done $0x0  }
0x1a0: {  	s25 =	rddreg [dreg:$0xe];
	[sflag:s17] =	ssyncadd.s32 $0xFFFFC000  }
0x1a1: {  	[hbm:s25], [sflag:s19] =	dma.local [spmem:s23], $0x800  }
0x1a2: {  	_ =	swait.ge [sflag:s12], $0x800  }
0x1a3: {  	[sflag:s12] =	ssyncset.done $0x0  }
0x1a4: {  	[sflag:s12] =	ssyncadd.s32 $0xFFFFF800  }
0x1a5: {  	_ =	swait.ge [sflag:s16], $0x800  }
0x1a6: {  	s26 =	rddreg [dreg:$0x10]  }
0x1a7: {  	s30 =	rddreg [dreg:$0xf];
	s19 =	sadd.s32 $0x1, s26  }
0x1a8: {  	p0 =	sne.s32 s19, s30  }
.Ltmp1:
0x1a9: {  	_ = 	snop;
	(pc) =	sbr.rel @p0 .LBB2_1-.Ltmp1, $4  }
0x1aa: {  	_ = 	snop  }
0x1ab: {  	s31 =	simm.s32 $0x8400;
	s24 =	simm.s32 $0x1400;
	s29 =	simm.s32 $0x3400  }
0x1ac: {  	s18 =	simm.s32 $0xC400;
	s22 =	simm.s32 $0x3C00;
	[sflag:s16] =	ssyncset.done $0x0  }
0x1ad: {  	s25 =	simm.s32 $0x1C00;
	[sflag:s16] =	ssyncadd.s32 $0xFFFFF800;
	s26 =	simm.s32 $0x2400  }
0x1ae: {  	_ =	sfence.sel $0x180000  }
0x1af: {  	[bflag:$0x0] =	sbarrier.arrive $0xFFFF  }
0x1b0: {  	_ =	strace $0x90000047  }
0x1b1: {  	s0 =	stileid.u32;
	[bflag:$0x2] =	sbarrier.arrive $0xFFFF  }
0x1b2: {  	p0 =	sne.s32 s0, $0x0;
	s0 =	rddreg [dreg:$0x4]  }
0x1b3: {  	s0 =	sadd.s32 @!p0 $0x100000, s0  }
0x1b4: {  	[sflag:s0] =	ssyncadd.tile.s32 @!p0 $0x1;
	_ =	shalt  }
.Lfunc_end2:
_tile_overlayer_lowered:
.L_overlay_start_2:
0x1b5: {  	(tag) =	ssettag $0x2  }
0x1b6: {  	s0 =	rddreg [dreg:$0x0];
	s2 =	stileid.u32  }
0x1b7: {  	s1 =	rddreg [dreg:$0x1];
	p0 =	sne.s32 s2, $0x0  }
0x1b8: {  	s3 =	rddreg [dreg:$0x2];
	[bflag:$0x3] =	sbarrier.arrive $0xFFFF;
	s2 =	simm.s32 @!p0 $0x1C0B  }
0x1b9: {  	[timem:s3], [sflag:s2] =	dma.local @!p0 [hbm:s0], s1  }
0x1ba: {  	s0 =	simm.s32 @!p0 $0xB  }
0x1bb: {  	_ =	swait.ge @!p0 [sflag:s0], s1  }
0x1bc: {  	s1 =	ssub.s32 @!p0 $0x0, s1;
	[sflag:s0] =	ssyncset.done @!p0 $0x0  }
0x1bd: {  	[sflag:s0] =	ssyncadd.s32 @!p0 s1  }
0x1be: {  	[bflag:$0x3] =	sbarrier.arrive $0xFFFF  }
0x1bf: {  	_ =	shalt  }

</sc_bundles>
